<compile_context>
chip_gen: v7x
topology: tpu7x:2x2x1
jax: 0.10.2.dev20260603
libtpu: 0.0.44.dev20260713+nightly
codegen_flags: <defaults>
</compile_context>

<pallas_src>
import functools

import jax
import jax.numpy as jnp
from jax import lax
from jax.experimental import pallas as pl
from jax.experimental.pallas import tpu as pltpu
from jax.experimental.pallas import tpu_sc as plsc

_B = 4096
_ND = 13
_NS = 26
_VOCAB = 100000
_EMB = 16
_ATT = 8
_LANE = 128

_NW = 32
_ROWS = _B * _NS
_RPW = _ROWS // _NW
_CH = 128
_NCH = _RPW // _CH


def _sc_gather(tab, idx3):

    @functools.partial(
        pl.kernel,
        mesh=plsc.VectorSubcoreMesh(core_axis_name="c", subcore_axis_name="s"),
        compiler_params=pltpu.CompilerParams(use_tc_tiling_on_sc=False),
        out_type=jax.ShapeDtypeStruct((_NW, _RPW * _EMB // 128, 128), jnp.float32),
    scratch_types=[
            pltpu.VMEM((_RPW,), jnp.int32),
            pltpu.VMEM((_RPW, _EMB), jnp.float32),
            pltpu.VMEM((_RPW * _EMB // 128, 128), jnp.float32),
            pltpu.SemaphoreType.DMA,
        ],
    )
    def body(tab_hbm, idx_hbm, out_hbm, idx_v, rows_v, out_v, sem):
        wid = lax.axis_index("s") * 2 + lax.axis_index("c")
        pltpu.sync_copy(idx_hbm.at[wid], idx_v)
        copies = [
            pltpu.async_copy(
                tab_hbm.at[idx_v.at[pl.ds(c * _CH, _CH)]],
                rows_v.at[pl.ds(c * _CH, _CH)],
                sem,
            )
            for c in range(_NCH)
        ]
        for cp in copies:
            cp.wait()

        def repack(g, carry):
            for j in range(8):
                out_v[g, pl.ds(j * _EMB, _EMB)] = rows_v[g * 8 + j, :]
            return carry

        lax.fori_loop(0, _RPW // 8, repack, 0)
        pltpu.sync_copy(out_v, out_hbm.at[wid])

    return body(tab, idx3)


def _bf16_round(x):
    u = jax.lax.bitcast_convert_type(x, jnp.uint32)
    u = (u + jnp.uint32(0x7FFF) + ((u >> jnp.uint32(16)) & jnp.uint32(1)))
    u = u & jnp.uint32(0xFFFF0000)
    return jax.lax.bitcast_convert_type(u, jnp.float32)


def _att_body(et_ref, dt_ref, wab_ref, bab_ref, wdb_ref, wfe_ref, wfd_ref,
              bfb_ref, mask_ref, o_ref):
    dt = dt_ref[...].T
    et = et_ref[...]
    V = et[:, None, :, :] * et[None, :, :, :]
    s = mask_ref[...]
    for h in range(_ATT):
        ah = jnp.sum(V * wab_ref[h][None, None], axis=2)
        ah = jnp.maximum(ah + bab_ref[h][None, None], 0.0)
        s = s + ah * wdb_ref[h][None, None]
    m = jnp.max(s, axis=(0, 1))
    ex = jnp.exp(s - m[None, None, :])
    z = jnp.sum(ex, axis=(0, 1))
    w = ex / z[None, None, :]
    att = jnp.sum(w[:, :, None, :] * V, axis=(0, 1))
    attb = _bf16_round(att)
    dtb = _bf16_round(dt)
    logit = (jnp.sum(attb * _bf16_round(wfe_ref[...]), axis=0)
             + jnp.sum(dtb * _bf16_round(wfd_ref[...]), axis=0)
             + bfb_ref[0])
    o_ref[...] = jax.nn.sigmoid(logit)[None, None, :]


def _attention(et, dt, wab, bab, wdb, wfe, wfd, bfb, mask):
    grid = (_B // _LANE,)
    out = pl.pallas_call(
        _att_body,
        grid=grid,
        in_specs=[
            pl.BlockSpec((_NS, _EMB, _LANE), lambda i: (0, 0, i)),
            pl.BlockSpec((_LANE, _ND), lambda i: (i, 0)),
            pl.BlockSpec((_ATT, _EMB, _LANE), lambda i: (0, 0, 0)),
            pl.BlockSpec((_ATT, _LANE), lambda i: (0, 0)),
            pl.BlockSpec((_ATT, _LANE), lambda i: (0, 0)),
            pl.BlockSpec((_EMB, _LANE), lambda i: (0, 0)),
            pl.BlockSpec((_ND, _LANE), lambda i: (0, 0)),
            pl.BlockSpec((1, _LANE), lambda i: (0, 0)),
            pl.BlockSpec((_NS, _NS, _LANE), lambda i: (0, 0, 0)),
        ],
        out_specs=pl.BlockSpec((1, 1, _LANE), lambda i: (i, 0, 0)),
        out_shape=jax.ShapeDtypeStruct((_B // _LANE, 1, _LANE), jnp.float32),
    )(et, dt, wab, bab, wdb, wfe, wfd, bfb, mask)
    return out.reshape(_B)


def kernel(x, tables, W_att, b_att, W_dense, b_dense, W_final, b_final):
    del b_dense
    dt = x[:, :_ND]
    sparse = x[:, _ND:].astype(jnp.int32)
    offs = (jnp.arange(_NS, dtype=jnp.int32) * _VOCAB)[None, :]
    idx3 = (sparse + offs).reshape(_NW, _RPW)
    tab = tables.reshape(_NS * _VOCAB, _EMB)
    gathered = _sc_gather(tab, idx3)
    et = gathered.reshape(_B, _NS * _EMB).T.reshape(_NS, _EMB, _B)

    wab = jnp.broadcast_to(W_att.T[:, :, None], (_ATT, _EMB, _LANE))
    bab = jnp.broadcast_to(b_att[:, None], (_ATT, _LANE))
    wdb = jnp.broadcast_to(W_dense[:, 0][:, None], (_ATT, _LANE))
    wfe = jnp.broadcast_to(W_final[:_EMB, 0][:, None], (_EMB, _LANE))
    wfd = jnp.broadcast_to(W_final[_EMB:, 0][:, None], (_ND, _LANE))
    bfb = jnp.broadcast_to(b_final[:, None], (1, _LANE))
    mask = jnp.where(jnp.eye(_NS, dtype=bool)[:, :, None], -1e30, 0.0)
    mask = jnp.broadcast_to(mask.astype(jnp.float32), (_NS, _NS, _LANE))

    return _attention(et, dt, wab, bab, wdb, wfe, wfd, bfb, mask)

# --- scband reference (transcript-rebuilt; emitter-appended) ---
"""Pipeline reference for scband-afm-47802986004583 (READ-ONLY COPY).

The authoritative reference and input builder live on the scoring server;
editing this copy changes nothing except your own understanding.
"""

import jax, jax.numpy as jnp
import numpy as np
import itertools

N_DENSE = 13
N_SPARSE = 26
VOCAB = 100000
EMB = 16
ATT = 8
B = 4096


def setup_inputs(seed: int = 0) -> dict:
    key = jax.random.key(seed)
    ks = jax.random.split(key, 8)
    # single mixed input tensor: first 13 cols dense, last 26 cols sparse indices (stored as float)
    x = jax.random.randint(ks[0], (B, N_DENSE + N_SPARSE), 0, VOCAB).astype(jnp.float32)
    # learned params
    tables = jax.random.normal(ks[1], (N_SPARSE, VOCAB, EMB), dtype=jnp.float32) * 0.01
    W_att = jax.random.normal(ks[2], (EMB, ATT), dtype=jnp.float32) * 0.1
    b_att = jnp.zeros((ATT,), dtype=jnp.float32)
    W_dense = jax.random.normal(ks[3], (ATT, 1), dtype=jnp.float32) * 0.1
    b_dense = jnp.zeros((1,), dtype=jnp.float32)
    W_final = jax.random.normal(ks[4], (EMB + N_DENSE, 1), dtype=jnp.float32) * 0.1
    b_final = jnp.zeros((1,), dtype=jnp.float32)
    return dict(x=x, tables=tables, W_att=W_att, b_att=b_att,
                W_dense=W_dense, b_dense=b_dense, W_final=W_final, b_final=b_final)


def reference(x, tables, W_att, b_att, W_dense, b_dense, W_final, b_final):
    dense_inputs = x[:, :N_DENSE]
    sparse_inputs = x[:, N_DENSE:].astype(jnp.int32)
    # per-field embedding lookups (gather)
    sparse_embeds = jnp.stack(
        [jnp.take(tables[i], sparse_inputs[:, i], axis=0) for i in range(N_SPARSE)],
        axis=1)  # [B, 26, 16]
    first, second = zip(*itertools.combinations(range(N_SPARSE), 2))
    p = sparse_embeds[:, list(first), :]
    q = sparse_embeds[:, list(second), :]
    bi_interaction = p * q  # [B, 325, 16]
    # attention layer
    a = jax.nn.relu(bi_interaction @ W_att + b_att)  # [B, 325, 8]
    att_scores = a @ W_dense + b_dense  # [B, 325, 1]
    att_weight = jax.nn.softmax(att_scores, axis=1)
    att_out = jnp.sum(att_weight * bi_interaction, axis=1)  # [B, 16]
    feat = jnp.concatenate([att_out, dense_inputs], axis=-1)  # [B, 29]
    outputs = jax.nn.sigmoid(feat @ W_final + b_final)
    return outputs.reshape(outputs.shape[0])

if __name__ == "__main__":
    import jax
    _d = setup_inputs()
    print(jax.jit(kernel)(*tuple(_d.values())))

</pallas_src>

<mosaic_0001>
#map = affine_map<(d0, d1) -> (0, 0)>
#map1 = affine_map<(d0, d1) -> (0, 0, 0)>
module attributes {stable_mosaic.version = 14 : i64} {
  func.func @body(%arg0: i32, %arg1: i32, %arg2: memref<2600000x16xf32, #tpu.memory_space<hbm>>, %arg3: memref<32x3328xi32, #tpu.memory_space<hbm>>, %arg4: memref<32x416x128xf32, #tpu.memory_space<hbm>>, %arg5: memref<3328xi32, #tpu.memory_space<vmem>>, %arg6: memref<3328x16xf32, #tpu.memory_space<vmem>>, %arg7: memref<416x128xf32, #tpu.memory_space<vmem>>, %arg8: memref<!tpu.dma_semaphore, #tpu.memory_space<semaphore_mem>>) attributes {dimension_semantics = [#tpu.dimension_semantics<core_parallel>, #tpu.dimension_semantics<subcore_parallel>], iteration_bounds = array<i64: 2, 16>, scalar_prefetch = 0 : i64, scratch_operands = 4 : i64, tpu.core_type = #tpu.core_type<sc_vector_subcore>, window_params = [{transform_indices = #map}, {transform_indices = #map}, {transform_indices = #map1}]} {
    %mul3A = arith.constant 2 : i32
    %mul3A_0 = arith.muli %arg1, %mul3A : i32
    %add3A = arith.addi %mul3A_0, %arg0 : i32
    "tpu.region"() ({
      %run_scoped3A = tpu.sem_alloc : memref<!tpu.dma_semaphore, #tpu.memory_space<semaphore_mem>>
      %dma_start3A_420 = arith.constant 0 : i32
      %dma_start3A_421 = tpu.memref_slice %arg3[%add3A, %dma_start3A_420] : memref<32x3328xi32, #tpu.memory_space<hbm>> -> memref<1x3328xi32, #tpu.memory_space<hbm>>
      %dma_start3A_422 = tpu.memref_squeeze %dma_start3A_421 : memref<1x3328xi32, #tpu.memory_space<hbm>> -> memref<3328xi32, #tpu.memory_space<hbm>>
      %dma_start3A_423 = arith.constant 0 : i32
      %dma_start3A_424 = tpu.memref_slice %arg3[%add3A, %dma_start3A_423] : memref<32x3328xi32, #tpu.memory_space<hbm>> -> memref<1x3328xi32, #tpu.memory_space<hbm>>
      %dma_start3A_425 = tpu.memref_squeeze %dma_start3A_424 : memref<1x3328xi32, #tpu.memory_space<hbm>> -> memref<3328xi32, #tpu.memory_space<hbm>>
      tpu.enqueue_dma source(%dma_start3A_425 : memref<3328xi32, #tpu.memory_space<hbm>>) target(%arg5 : memref<3328xi32, #tpu.memory_space<vmem>>) target_semaphore(%run_scoped3A : memref<!tpu.dma_semaphore, #tpu.memory_space<semaphore_mem>>)
      %dma_wait3A_426 = arith.constant 0 : i32
      %dma_wait3A_427 = tpu.memref_slice %arg3[%add3A, %dma_wait3A_426] : memref<32x3328xi32, #tpu.memory_space<hbm>> -> memref<1x3328xi32, #tpu.memory_space<hbm>>
      %dma_wait3A_428 = tpu.memref_squeeze %dma_wait3A_427 : memref<1x3328xi32, #tpu.memory_space<hbm>> -> memref<3328xi32, #tpu.memory_space<hbm>>
      %dma_wait3A_429 = arith.constant 0 : i32
      %dma_wait3A_430 = tpu.memref_slice %arg3[%add3A, %dma_wait3A_429] : memref<32x3328xi32, #tpu.memory_space<hbm>> -> memref<1x3328xi32, #tpu.memory_space<hbm>>
      %dma_wait3A_431 = tpu.memref_squeeze %dma_wait3A_430 : memref<1x3328xi32, #tpu.memory_space<hbm>> -> memref<3328xi32, #tpu.memory_space<hbm>>
      tpu.wait_dma2 semaphore(%run_scoped3A : memref<!tpu.dma_semaphore, #tpu.memory_space<semaphore_mem>>) src(%dma_wait3A_431 : memref<3328xi32, #tpu.memory_space<hbm>>) dst(%arg5 : memref<3328xi32, #tpu.memory_space<vmem>>)
      tpu.yield
    }) : () -> ()
    %dma_start3A = arith.constant 0 : i32
    %dma_start3A_1 = arith.constant 0 : i32
    %dma_start3A_2 = tpu.memref_slice %arg6[%dma_start3A, %dma_start3A_1] : memref<3328x16xf32, #tpu.memory_space<vmem>> -> memref<128x16xf32, #tpu.memory_space<vmem>>
    %dma_start3A_3 = arith.constant 0 : i32
    %dma_start3A_4 = tpu.memref_slice %arg5[%dma_start3A_3] : memref<3328xi32, #tpu.memory_space<vmem>> -> memref<128xi32, #tpu.memory_space<vmem>>
    %dma_start3A_5 = arith.constant 0 : i32
    %dma_start3A_6 = arith.constant 0 : i32
    %dma_start3A_7 = tpu.memref_slice %arg2[%dma_start3A_5, %dma_start3A_6] : memref<2600000x16xf32, #tpu.memory_space<hbm>> -> memref<2600000x16xf32, #tpu.memory_space<hbm>>
    tpu.enqueue_indirect_dma source(%dma_start3A_7 : memref<2600000x16xf32, #tpu.memory_space<hbm>>) target(%dma_start3A_2 : memref<128x16xf32, #tpu.memory_space<vmem>>) offsets(%dma_start3A_4 : memref<128xi32, #tpu.memory_space<vmem>>) semaphore(%arg8 : memref<!tpu.dma_semaphore, #tpu.memory_space<semaphore_mem>>)
    %dma_start3A_8 = arith.constant 128 : i32
    %dma_start3A_9 = arith.constant 0 : i32
    %dma_start3A_10 = tpu.memref_slice %arg6[%dma_start3A_8, %dma_start3A_9] : memref<3328x16xf32, #tpu.memory_space<vmem>> -> memref<128x16xf32, #tpu.memory_space<vmem>>
    %dma_start3A_11 = arith.constant 128 : i32
    %dma_start3A_12 = tpu.memref_slice %arg5[%dma_start3A_11] : memref<3328xi32, #tpu.memory_space<vmem>> -> memref<128xi32, #tpu.memory_space<vmem>>
    %dma_start3A_13 = arith.constant 0 : i32
    %dma_start3A_14 = arith.constant 0 : i32
    %dma_start3A_15 = tpu.memref_slice %arg2[%dma_start3A_13, %dma_start3A_14] : memref<2600000x16xf32, #tpu.memory_space<hbm>> -> memref<2600000x16xf32, #tpu.memory_space<hbm>>
    tpu.enqueue_indirect_dma source(%dma_start3A_15 : memref<2600000x16xf32, #tpu.memory_space<hbm>>) target(%dma_start3A_10 : memref<128x16xf32, #tpu.memory_space<vmem>>) offsets(%dma_start3A_12 : memref<128xi32, #tpu.memory_space<vmem>>) semaphore(%arg8 : memref<!tpu.dma_semaphore, #tpu.memory_space<semaphore_mem>>)
    %dma_start3A_16 = arith.constant 256 : i32
    %dma_start3A_17 = arith.constant 0 : i32
    %dma_start3A_18 = tpu.memref_slice %arg6[%dma_start3A_16, %dma_start3A_17] : memref<3328x16xf32, #tpu.memory_space<vmem>> -> memref<128x16xf32, #tpu.memory_space<vmem>>
    %dma_start3A_19 = arith.constant 256 : i32
    %dma_start3A_20 = tpu.memref_slice %arg5[%dma_start3A_19] : memref<3328xi32, #tpu.memory_space<vmem>> -> memref<128xi32, #tpu.memory_space<vmem>>
    %dma_start3A_21 = arith.constant 0 : i32
    %dma_start3A_22 = arith.constant 0 : i32
    %dma_start3A_23 = tpu.memref_slice %arg2[%dma_start3A_21, %dma_start3A_22] : memref<2600000x16xf32, #tpu.memory_space<hbm>> -> memref<2600000x16xf32, #tpu.memory_space<hbm>>
    tpu.enqueue_indirect_dma source(%dma_start3A_23 : memref<2600000x16xf32, #tpu.memory_space<hbm>>) target(%dma_start3A_18 : memref<128x16xf32, #tpu.memory_space<vmem>>) offsets(%dma_start3A_20 : memref<128xi32, #tpu.memory_space<vmem>>) semaphore(%arg8 : memref<!tpu.dma_semaphore, #tpu.memory_space<semaphore_mem>>)
    %dma_start3A_24 = arith.constant 384 : i32
    %dma_start3A_25 = arith.constant 0 : i32
    %dma_start3A_26 = tpu.memref_slice %arg6[%dma_start3A_24, %dma_start3A_25] : memref<3328x16xf32, #tpu.memory_space<vmem>> -> memref<128x16xf32, #tpu.memory_space<vmem>>
    %dma_start3A_27 = arith.constant 384 : i32
    %dma_start3A_28 = tpu.memref_slice %arg5[%dma_start3A_27] : memref<3328xi32, #tpu.memory_space<vmem>> -> memref<128xi32, #tpu.memory_space<vmem>>
    %dma_start3A_29 = arith.constant 0 : i32
    %dma_start3A_30 = arith.constant 0 : i32
    %dma_start3A_31 = tpu.memref_slice %arg2[%dma_start3A_29, %dma_start3A_30] : memref<2600000x16xf32, #tpu.memory_space<hbm>> -> memref<2600000x16xf32, #tpu.memory_space<hbm>>
    tpu.enqueue_indirect_dma source(%dma_start3A_31 : memref<2600000x16xf32, #tpu.memory_space<hbm>>) target(%dma_start3A_26 : memref<128x16xf32, #tpu.memory_space<vmem>>) offsets(%dma_start3A_28 : memref<128xi32, #tpu.memory_space<vmem>>) semaphore(%arg8 : memref<!tpu.dma_semaphore, #tpu.memory_space<semaphore_mem>>)
    %dma_start3A_32 = arith.constant 512 : i32
    %dma_start3A_33 = arith.constant 0 : i32
    %dma_start3A_34 = tpu.memref_slice %arg6[%dma_start3A_32, %dma_start3A_33] : memref<3328x16xf32, #tpu.memory_space<vmem>> -> memref<128x16xf32, #tpu.memory_space<vmem>>
    %dma_start3A_35 = arith.constant 512 : i32
    %dma_start3A_36 = tpu.memref_slice %arg5[%dma_start3A_35] : memref<3328xi32, #tpu.memory_space<vmem>> -> memref<128xi32, #tpu.memory_space<vmem>>
    %dma_start3A_37 = arith.constant 0 : i32
    %dma_start3A_38 = arith.constant 0 : i32
    %dma_start3A_39 = tpu.memref_slice %arg2[%dma_start3A_37, %dma_start3A_38] : memref<2600000x16xf32, #tpu.memory_space<hbm>> -> memref<2600000x16xf32, #tpu.memory_space<hbm>>
    tpu.enqueue_indirect_dma source(%dma_start3A_39 : memref<2600000x16xf32, #tpu.memory_space<hbm>>) target(%dma_start3A_34 : memref<128x16xf32, #tpu.memory_space<vmem>>) offsets(%dma_start3A_36 : memref<128xi32, #tpu.memory_space<vmem>>) semaphore(%arg8 : memref<!tpu.dma_semaphore, #tpu.memory_space<semaphore_mem>>)
    %dma_start3A_40 = arith.constant 640 : i32
    %dma_start3A_41 = arith.constant 0 : i32
    %dma_start3A_42 = tpu.memref_slice %arg6[%dma_start3A_40, %dma_start3A_41] : memref<3328x16xf32, #tpu.memory_space<vmem>> -> memref<128x16xf32, #tpu.memory_space<vmem>>
    %dma_start3A_43 = arith.constant 640 : i32
    %dma_start3A_44 = tpu.memref_slice %arg5[%dma_start3A_43] : memref<3328xi32, #tpu.memory_space<vmem>> -> memref<128xi32, #tpu.memory_space<vmem>>
    %dma_start3A_45 = arith.constant 0 : i32
    %dma_start3A_46 = arith.constant 0 : i32
    %dma_start3A_47 = tpu.memref_slice %arg2[%dma_start3A_45, %dma_start3A_46] : memref<2600000x16xf32, #tpu.memory_space<hbm>> -> memref<2600000x16xf32, #tpu.memory_space<hbm>>
    tpu.enqueue_indirect_dma source(%dma_start3A_47 : memref<2600000x16xf32, #tpu.memory_space<hbm>>) target(%dma_start3A_42 : memref<128x16xf32, #tpu.memory_space<vmem>>) offsets(%dma_start3A_44 : memref<128xi32, #tpu.memory_space<vmem>>) semaphore(%arg8 : memref<!tpu.dma_semaphore, #tpu.memory_space<semaphore_mem>>)
    %dma_start3A_48 = arith.constant 768 : i32
    %dma_start3A_49 = arith.constant 0 : i32
    %dma_start3A_50 = tpu.memref_slice %arg6[%dma_start3A_48, %dma_start3A_49] : memref<3328x16xf32, #tpu.memory_space<vmem>> -> memref<128x16xf32, #tpu.memory_space<vmem>>
    %dma_start3A_51 = arith.constant 768 : i32
    %dma_start3A_52 = tpu.memref_slice %arg5[%dma_start3A_51] : memref<3328xi32, #tpu.memory_space<vmem>> -> memref<128xi32, #tpu.memory_space<vmem>>
    %dma_start3A_53 = arith.constant 0 : i32
    %dma_start3A_54 = arith.constant 0 : i32
    %dma_start3A_55 = tpu.memref_slice %arg2[%dma_start3A_53, %dma_start3A_54] : memref<2600000x16xf32, #tpu.memory_space<hbm>> -> memref<2600000x16xf32, #tpu.memory_space<hbm>>
    tpu.enqueue_indirect_dma source(%dma_start3A_55 : memref<2600000x16xf32, #tpu.memory_space<hbm>>) target(%dma_start3A_50 : memref<128x16xf32, #tpu.memory_space<vmem>>) offsets(%dma_start3A_52 : memref<128xi32, #tpu.memory_space<vmem>>) semaphore(%arg8 : memref<!tpu.dma_semaphore, #tpu.memory_space<semaphore_mem>>)
    %dma_start3A_56 = arith.constant 896 : i32
    %dma_start3A_57 = arith.constant 0 : i32
    %dma_start3A_58 = tpu.memref_slice %arg6[%dma_start3A_56, %dma_start3A_57] : memref<3328x16xf32, #tpu.memory_space<vmem>> -> memref<128x16xf32, #tpu.memory_space<vmem>>
    %dma_start3A_59 = arith.constant 896 : i32
    %dma_start3A_60 = tpu.memref_slice %arg5[%dma_start3A_59] : memref<3328xi32, #tpu.memory_space<vmem>> -> memref<128xi32, #tpu.memory_space<vmem>>
    %dma_start3A_61 = arith.constant 0 : i32
    %dma_start3A_62 = arith.constant 0 : i32
    %dma_start3A_63 = tpu.memref_slice %arg2[%dma_start3A_61, %dma_start3A_62] : memref<2600000x16xf32, #tpu.memory_space<hbm>> -> memref<2600000x16xf32, #tpu.memory_space<hbm>>
    tpu.enqueue_indirect_dma source(%dma_start3A_63 : memref<2600000x16xf32, #tpu.memory_space<hbm>>) target(%dma_start3A_58 : memref<128x16xf32, #tpu.memory_space<vmem>>) offsets(%dma_start3A_60 : memref<128xi32, #tpu.memory_space<vmem>>) semaphore(%arg8 : memref<!tpu.dma_semaphore, #tpu.memory_space<semaphore_mem>>)
    %dma_start3A_64 = arith.constant 1024 : i32
    %dma_start3A_65 = arith.constant 0 : i32
    %dma_start3A_66 = tpu.memref_slice %arg6[%dma_start3A_64, %dma_start3A_65] : memref<3328x16xf32, #tpu.memory_space<vmem>> -> memref<128x16xf32, #tpu.memory_space<vmem>>
    %dma_start3A_67 = arith.constant 1024 : i32
    %dma_start3A_68 = tpu.memref_slice %arg5[%dma_start3A_67] : memref<3328xi32, #tpu.memory_space<vmem>> -> memref<128xi32, #tpu.memory_space<vmem>>
    %dma_start3A_69 = arith.constant 0 : i32
    %dma_start3A_70 = arith.constant 0 : i32
    %dma_start3A_71 = tpu.memref_slice %arg2[%dma_start3A_69, %dma_start3A_70] : memref<2600000x16xf32, #tpu.memory_space<hbm>> -> memref<2600000x16xf32, #tpu.memory_space<hbm>>
    tpu.enqueue_indirect_dma source(%dma_start3A_71 : memref<2600000x16xf32, #tpu.memory_space<hbm>>) target(%dma_start3A_66 : memref<128x16xf32, #tpu.memory_space<vmem>>) offsets(%dma_start3A_68 : memref<128xi32, #tpu.memory_space<vmem>>) semaphore(%arg8 : memref<!tpu.dma_semaphore, #tpu.memory_space<semaphore_mem>>)
    %dma_start3A_72 = arith.constant 1152 : i32
    %dma_start3A_73 = arith.constant 0 : i32
    %dma_start3A_74 = tpu.memref_slice %arg6[%dma_start3A_72, %dma_start3A_73] : memref<3328x16xf32, #tpu.memory_space<vmem>> -> memref<128x16xf32, #tpu.memory_space<vmem>>
    %dma_start3A_75 = arith.constant 1152 : i32
    %dma_start3A_76 = tpu.memref_slice %arg5[%dma_start3A_75] : memref<3328xi32, #tpu.memory_space<vmem>> -> memref<128xi32, #tpu.memory_space<vmem>>
    %dma_start3A_77 = arith.constant 0 : i32
    %dma_start3A_78 = arith.constant 0 : i32
    %dma_start3A_79 = tpu.memref_slice %arg2[%dma_start3A_77, %dma_start3A_78] : memref<2600000x16xf32, #tpu.memory_space<hbm>> -> memref<2600000x16xf32, #tpu.memory_space<hbm>>
    tpu.enqueue_indirect_dma source(%dma_start3A_79 : memref<2600000x16xf32, #tpu.memory_space<hbm>>) target(%dma_start3A_74 : memref<128x16xf32, #tpu.memory_space<vmem>>) offsets(%dma_start3A_76 : memref<128xi32, #tpu.memory_space<vmem>>) semaphore(%arg8 : memref<!tpu.dma_semaphore, #tpu.memory_space<semaphore_mem>>)
    %dma_start3A_80 = arith.constant 1280 : i32
    %dma_start3A_81 = arith.constant 0 : i32
    %dma_start3A_82 = tpu.memref_slice %arg6[%dma_start3A_80, %dma_start3A_81] : memref<3328x16xf32, #tpu.memory_space<vmem>> -> memref<128x16xf32, #tpu.memory_space<vmem>>
    %dma_start3A_83 = arith.constant 1280 : i32
    %dma_start3A_84 = tpu.memref_slice %arg5[%dma_start3A_83] : memref<3328xi32, #tpu.memory_space<vmem>> -> memref<128xi32, #tpu.memory_space<vmem>>
    %dma_start3A_85 = arith.constant 0 : i32
    %dma_start3A_86 = arith.constant 0 : i32
    %dma_start3A_87 = tpu.memref_slice %arg2[%dma_start3A_85, %dma_start3A_86] : memref<2600000x16xf32, #tpu.memory_space<hbm>> -> memref<2600000x16xf32, #tpu.memory_space<hbm>>
    tpu.enqueue_indirect_dma source(%dma_start3A_87 : memref<2600000x16xf32, #tpu.memory_space<hbm>>) target(%dma_start3A_82 : memref<128x16xf32, #tpu.memory_space<vmem>>) offsets(%dma_start3A_84 : memref<128xi32, #tpu.memory_space<vmem>>) semaphore(%arg8 : memref<!tpu.dma_semaphore, #tpu.memory_space<semaphore_mem>>)
    %dma_start3A_88 = arith.constant 1408 : i32
    %dma_start3A_89 = arith.constant 0 : i32
    %dma_start3A_90 = tpu.memref_slice %arg6[%dma_start3A_88, %dma_start3A_89] : memref<3328x16xf32, #tpu.memory_space<vmem>> -> memref<128x16xf32, #tpu.memory_space<vmem>>
    %dma_start3A_91 = arith.constant 1408 : i32
    %dma_start3A_92 = tpu.memref_slice %arg5[%dma_start3A_91] : memref<3328xi32, #tpu.memory_space<vmem>> -> memref<128xi32, #tpu.memory_space<vmem>>
    %dma_start3A_93 = arith.constant 0 : i32
    %dma_start3A_94 = arith.constant 0 : i32
    %dma_start3A_95 = tpu.memref_slice %arg2[%dma_start3A_93, %dma_start3A_94] : memref<2600000x16xf32, #tpu.memory_space<hbm>> -> memref<2600000x16xf32, #tpu.memory_space<hbm>>
    tpu.enqueue_indirect_dma source(%dma_start3A_95 : memref<2600000x16xf32, #tpu.memory_space<hbm>>) target(%dma_start3A_90 : memref<128x16xf32, #tpu.memory_space<vmem>>) offsets(%dma_start3A_92 : memref<128xi32, #tpu.memory_space<vmem>>) semaphore(%arg8 : memref<!tpu.dma_semaphore, #tpu.memory_space<semaphore_mem>>)
    %dma_start3A_96 = arith.constant 1536 : i32
    %dma_start3A_97 = arith.constant 0 : i32
    %dma_start3A_98 = tpu.memref_slice %arg6[%dma_start3A_96, %dma_start3A_97] : memref<3328x16xf32, #tpu.memory_space<vmem>> -> memref<128x16xf32, #tpu.memory_space<vmem>>
    %dma_start3A_99 = arith.constant 1536 : i32
    %dma_start3A_100 = tpu.memref_slice %arg5[%dma_start3A_99] : memref<3328xi32, #tpu.memory_space<vmem>> -> memref<128xi32, #tpu.memory_space<vmem>>
    %dma_start3A_101 = arith.constant 0 : i32
    %dma_start3A_102 = arith.constant 0 : i32
    %dma_start3A_103 = tpu.memref_slice %arg2[%dma_start3A_101, %dma_start3A_102] : memref<2600000x16xf32, #tpu.memory_space<hbm>> -> memref<2600000x16xf32, #tpu.memory_space<hbm>>
    tpu.enqueue_indirect_dma source(%dma_start3A_103 : memref<2600000x16xf32, #tpu.memory_space<hbm>>) target(%dma_start3A_98 : memref<128x16xf32, #tpu.memory_space<vmem>>) offsets(%dma_start3A_100 : memref<128xi32, #tpu.memory_space<vmem>>) semaphore(%arg8 : memref<!tpu.dma_semaphore, #tpu.memory_space<semaphore_mem>>)
    %dma_start3A_104 = arith.constant 1664 : i32
    %dma_start3A_105 = arith.constant 0 : i32
    %dma_start3A_106 = tpu.memref_slice %arg6[%dma_start3A_104, %dma_start3A_105] : memref<3328x16xf32, #tpu.memory_space<vmem>> -> memref<128x16xf32, #tpu.memory_space<vmem>>
    %dma_start3A_107 = arith.constant 1664 : i32
    %dma_start3A_108 = tpu.memref_slice %arg5[%dma_start3A_107] : memref<3328xi32, #tpu.memory_space<vmem>> -> memref<128xi32, #tpu.memory_space<vmem>>
    %dma_start3A_109 = arith.constant 0 : i32
    %dma_start3A_110 = arith.constant 0 : i32
    %dma_start3A_111 = tpu.memref_slice %arg2[%dma_start3A_109, %dma_start3A_110] : memref<2600000x16xf32, #tpu.memory_space<hbm>> -> memref<2600000x16xf32, #tpu.memory_space<hbm>>
    tpu.enqueue_indirect_dma source(%dma_start3A_111 : memref<2600000x16xf32, #tpu.memory_space<hbm>>) target(%dma_start3A_106 : memref<128x16xf32, #tpu.memory_space<vmem>>) offsets(%dma_start3A_108 : memref<128xi32, #tpu.memory_space<vmem>>) semaphore(%arg8 : memref<!tpu.dma_semaphore, #tpu.memory_space<semaphore_mem>>)
    %dma_start3A_112 = arith.constant 1792 : i32
    %dma_start3A_113 = arith.constant 0 : i32
    %dma_start3A_114 = tpu.memref_slice %arg6[%dma_start3A_112, %dma_start3A_113] : memref<3328x16xf32, #tpu.memory_space<vmem>> -> memref<128x16xf32, #tpu.memory_space<vmem>>
    %dma_start3A_115 = arith.constant 1792 : i32
    %dma_start3A_116 = tpu.memref_slice %arg5[%dma_start3A_115] : memref<3328xi32, #tpu.memory_space<vmem>> -> memref<128xi32, #tpu.memory_space<vmem>>
    %dma_start3A_117 = arith.constant 0 : i32
    %dma_start3A_118 = arith.constant 0 : i32
    %dma_start3A_119 = tpu.memref_slice %arg2[%dma_start3A_117, %dma_start3A_118] : memref<2600000x16xf32, #tpu.memory_space<hbm>> -> memref<2600000x16xf32, #tpu.memory_space<hbm>>
    tpu.enqueue_indirect_dma source(%dma_start3A_119 : memref<2600000x16xf32, #tpu.memory_space<hbm>>) target(%dma_start3A_114 : memref<128x16xf32, #tpu.memory_space<vmem>>) offsets(%dma_start3A_116 : memref<128xi32, #tpu.memory_space<vmem>>) semaphore(%arg8 : memref<!tpu.dma_semaphore, #tpu.memory_space<semaphore_mem>>)
    %dma_start3A_120 = arith.constant 1920 : i32
    %dma_start3A_121 = arith.constant 0 : i32
    %dma_start3A_122 = tpu.memref_slice %arg6[%dma_start3A_120, %dma_start3A_121] : memref<3328x16xf32, #tpu.memory_space<vmem>> -> memref<128x16xf32, #tpu.memory_space<vmem>>
    %dma_start3A_123 = arith.constant 1920 : i32
    %dma_start3A_124 = tpu.memref_slice %arg5[%dma_start3A_123] : memref<3328xi32, #tpu.memory_space<vmem>> -> memref<128xi32, #tpu.memory_space<vmem>>
    %dma_start3A_125 = arith.constant 0 : i32
    %dma_start3A_126 = arith.constant 0 : i32
    %dma_start3A_127 = tpu.memref_slice %arg2[%dma_start3A_125, %dma_start3A_126] : memref<2600000x16xf32, #tpu.memory_space<hbm>> -> memref<2600000x16xf32, #tpu.memory_space<hbm>>
    tpu.enqueue_indirect_dma source(%dma_start3A_127 : memref<2600000x16xf32, #tpu.memory_space<hbm>>) target(%dma_start3A_122 : memref<128x16xf32, #tpu.memory_space<vmem>>) offsets(%dma_start3A_124 : memref<128xi32, #tpu.memory_space<vmem>>) semaphore(%arg8 : memref<!tpu.dma_semaphore, #tpu.memory_space<semaphore_mem>>)
    %dma_start3A_128 = arith.constant 2048 : i32
    %dma_start3A_129 = arith.constant 0 : i32
    %dma_start3A_130 = tpu.memref_slice %arg6[%dma_start3A_128, %dma_start3A_129] : memref<3328x16xf32, #tpu.memory_space<vmem>> -> memref<128x16xf32, #tpu.memory_space<vmem>>
    %dma_start3A_131 = arith.constant 2048 : i32
    %dma_start3A_132 = tpu.memref_slice %arg5[%dma_start3A_131] : memref<3328xi32, #tpu.memory_space<vmem>> -> memref<128xi32, #tpu.memory_space<vmem>>
    %dma_start3A_133 = arith.constant 0 : i32
    %dma_start3A_134 = arith.constant 0 : i32
    %dma_start3A_135 = tpu.memref_slice %arg2[%dma_start3A_133, %dma_start3A_134] : memref<2600000x16xf32, #tpu.memory_space<hbm>> -> memref<2600000x16xf32, #tpu.memory_space<hbm>>
    tpu.enqueue_indirect_dma source(%dma_start3A_135 : memref<2600000x16xf32, #tpu.memory_space<hbm>>) target(%dma_start3A_130 : memref<128x16xf32, #tpu.memory_space<vmem>>) offsets(%dma_start3A_132 : memref<128xi32, #tpu.memory_space<vmem>>) semaphore(%arg8 : memref<!tpu.dma_semaphore, #tpu.memory_space<semaphore_mem>>)
    %dma_start3A_136 = arith.constant 2176 : i32
    %dma_start3A_137 = arith.constant 0 : i32
    %dma_start3A_138 = tpu.memref_slice %arg6[%dma_start3A_136, %dma_start3A_137] : memref<3328x16xf32, #tpu.memory_space<vmem>> -> memref<128x16xf32, #tpu.memory_space<vmem>>
    %dma_start3A_139 = arith.constant 2176 : i32
    %dma_start3A_140 = tpu.memref_slice %arg5[%dma_start3A_139] : memref<3328xi32, #tpu.memory_space<vmem>> -> memref<128xi32, #tpu.memory_space<vmem>>
    %dma_start3A_141 = arith.constant 0 : i32
    %dma_start3A_142 = arith.constant 0 : i32
    %dma_start3A_143 = tpu.memref_slice %arg2[%dma_start3A_141, %dma_start3A_142] : memref<2600000x16xf32, #tpu.memory_space<hbm>> -> memref<2600000x16xf32, #tpu.memory_space<hbm>>
    tpu.enqueue_indirect_dma source(%dma_start3A_143 : memref<2600000x16xf32, #tpu.memory_space<hbm>>) target(%dma_start3A_138 : memref<128x16xf32, #tpu.memory_space<vmem>>) offsets(%dma_start3A_140 : memref<128xi32, #tpu.memory_space<vmem>>) semaphore(%arg8 : memref<!tpu.dma_semaphore, #tpu.memory_space<semaphore_mem>>)
    %dma_start3A_144 = arith.constant 2304 : i32
    %dma_start3A_145 = arith.constant 0 : i32
    %dma_start3A_146 = tpu.memref_slice %arg6[%dma_start3A_144, %dma_start3A_145] : memref<3328x16xf32, #tpu.memory_space<vmem>> -> memref<128x16xf32, #tpu.memory_space<vmem>>
    %dma_start3A_147 = arith.constant 2304 : i32
    %dma_start3A_148 = tpu.memref_slice %arg5[%dma_start3A_147] : memref<3328xi32, #tpu.memory_space<vmem>> -> memref<128xi32, #tpu.memory_space<vmem>>
    %dma_start3A_149 = arith.constant 0 : i32
    %dma_start3A_150 = arith.constant 0 : i32
    %dma_start3A_151 = tpu.memref_slice %arg2[%dma_start3A_149, %dma_start3A_150] : memref<2600000x16xf32, #tpu.memory_space<hbm>> -> memref<2600000x16xf32, #tpu.memory_space<hbm>>
    tpu.enqueue_indirect_dma source(%dma_start3A_151 : memref<2600000x16xf32, #tpu.memory_space<hbm>>) target(%dma_start3A_146 : memref<128x16xf32, #tpu.memory_space<vmem>>) offsets(%dma_start3A_148 : memref<128xi32, #tpu.memory_space<vmem>>) semaphore(%arg8 : memref<!tpu.dma_semaphore, #tpu.memory_space<semaphore_mem>>)
    %dma_start3A_152 = arith.constant 2432 : i32
    %dma_start3A_153 = arith.constant 0 : i32
    %dma_start3A_154 = tpu.memref_slice %arg6[%dma_start3A_152, %dma_start3A_153] : memref<3328x16xf32, #tpu.memory_space<vmem>> -> memref<128x16xf32, #tpu.memory_space<vmem>>
    %dma_start3A_155 = arith.constant 2432 : i32
    %dma_start3A_156 = tpu.memref_slice %arg5[%dma_start3A_155] : memref<3328xi32, #tpu.memory_space<vmem>> -> memref<128xi32, #tpu.memory_space<vmem>>
    %dma_start3A_157 = arith.constant 0 : i32
    %dma_start3A_158 = arith.constant 0 : i32
    %dma_start3A_159 = tpu.memref_slice %arg2[%dma_start3A_157, %dma_start3A_158] : memref<2600000x16xf32, #tpu.memory_space<hbm>> -> memref<2600000x16xf32, #tpu.memory_space<hbm>>
    tpu.enqueue_indirect_dma source(%dma_start3A_159 : memref<2600000x16xf32, #tpu.memory_space<hbm>>) target(%dma_start3A_154 : memref<128x16xf32, #tpu.memory_space<vmem>>) offsets(%dma_start3A_156 : memref<128xi32, #tpu.memory_space<vmem>>) semaphore(%arg8 : memref<!tpu.dma_semaphore, #tpu.memory_space<semaphore_mem>>)
    %dma_start3A_160 = arith.constant 2560 : i32
    %dma_start3A_161 = arith.constant 0 : i32
    %dma_start3A_162 = tpu.memref_slice %arg6[%dma_start3A_160, %dma_start3A_161] : memref<3328x16xf32, #tpu.memory_space<vmem>> -> memref<128x16xf32, #tpu.memory_space<vmem>>
    %dma_start3A_163 = arith.constant 2560 : i32
    %dma_start3A_164 = tpu.memref_slice %arg5[%dma_start3A_163] : memref<3328xi32, #tpu.memory_space<vmem>> -> memref<128xi32, #tpu.memory_space<vmem>>
    %dma_start3A_165 = arith.constant 0 : i32
    %dma_start3A_166 = arith.constant 0 : i32
    %dma_start3A_167 = tpu.memref_slice %arg2[%dma_start3A_165, %dma_start3A_166] : memref<2600000x16xf32, #tpu.memory_space<hbm>> -> memref<2600000x16xf32, #tpu.memory_space<hbm>>
    tpu.enqueue_indirect_dma source(%dma_start3A_167 : memref<2600000x16xf32, #tpu.memory_space<hbm>>) target(%dma_start3A_162 : memref<128x16xf32, #tpu.memory_space<vmem>>) offsets(%dma_start3A_164 : memref<128xi32, #tpu.memory_space<vmem>>) semaphore(%arg8 : memref<!tpu.dma_semaphore, #tpu.memory_space<semaphore_mem>>)
    %dma_start3A_168 = arith.constant 2688 : i32
    %dma_start3A_169 = arith.constant 0 : i32
    %dma_start3A_170 = tpu.memref_slice %arg6[%dma_start3A_168, %dma_start3A_169] : memref<3328x16xf32, #tpu.memory_space<vmem>> -> memref<128x16xf32, #tpu.memory_space<vmem>>
    %dma_start3A_171 = arith.constant 2688 : i32
    %dma_start3A_172 = tpu.memref_slice %arg5[%dma_start3A_171] : memref<3328xi32, #tpu.memory_space<vmem>> -> memref<128xi32, #tpu.memory_space<vmem>>
    %dma_start3A_173 = arith.constant 0 : i32
    %dma_start3A_174 = arith.constant 0 : i32
    %dma_start3A_175 = tpu.memref_slice %arg2[%dma_start3A_173, %dma_start3A_174] : memref<2600000x16xf32, #tpu.memory_space<hbm>> -> memref<2600000x16xf32, #tpu.memory_space<hbm>>
    tpu.enqueue_indirect_dma source(%dma_start3A_175 : memref<2600000x16xf32, #tpu.memory_space<hbm>>) target(%dma_start3A_170 : memref<128x16xf32, #tpu.memory_space<vmem>>) offsets(%dma_start3A_172 : memref<128xi32, #tpu.memory_space<vmem>>) semaphore(%arg8 : memref<!tpu.dma_semaphore, #tpu.memory_space<semaphore_mem>>)
    %dma_start3A_176 = arith.constant 2816 : i32
    %dma_start3A_177 = arith.constant 0 : i32
    %dma_start3A_178 = tpu.memref_slice %arg6[%dma_start3A_176, %dma_start3A_177] : memref<3328x16xf32, #tpu.memory_space<vmem>> -> memref<128x16xf32, #tpu.memory_space<vmem>>
    %dma_start3A_179 = arith.constant 2816 : i32
    %dma_start3A_180 = tpu.memref_slice %arg5[%dma_start3A_179] : memref<3328xi32, #tpu.memory_space<vmem>> -> memref<128xi32, #tpu.memory_space<vmem>>
    %dma_start3A_181 = arith.constant 0 : i32
    %dma_start3A_182 = arith.constant 0 : i32
    %dma_start3A_183 = tpu.memref_slice %arg2[%dma_start3A_181, %dma_start3A_182] : memref<2600000x16xf32, #tpu.memory_space<hbm>> -> memref<2600000x16xf32, #tpu.memory_space<hbm>>
    tpu.enqueue_indirect_dma source(%dma_start3A_183 : memref<2600000x16xf32, #tpu.memory_space<hbm>>) target(%dma_start3A_178 : memref<128x16xf32, #tpu.memory_space<vmem>>) offsets(%dma_start3A_180 : memref<128xi32, #tpu.memory_space<vmem>>) semaphore(%arg8 : memref<!tpu.dma_semaphore, #tpu.memory_space<semaphore_mem>>)
    %dma_start3A_184 = arith.constant 2944 : i32
    %dma_start3A_185 = arith.constant 0 : i32
    %dma_start3A_186 = tpu.memref_slice %arg6[%dma_start3A_184, %dma_start3A_185] : memref<3328x16xf32, #tpu.memory_space<vmem>> -> memref<128x16xf32, #tpu.memory_space<vmem>>
    %dma_start3A_187 = arith.constant 2944 : i32
    %dma_start3A_188 = tpu.memref_slice %arg5[%dma_start3A_187] : memref<3328xi32, #tpu.memory_space<vmem>> -> memref<128xi32, #tpu.memory_space<vmem>>
    %dma_start3A_189 = arith.constant 0 : i32
    %dma_start3A_190 = arith.constant 0 : i32
    %dma_start3A_191 = tpu.memref_slice %arg2[%dma_start3A_189, %dma_start3A_190] : memref<2600000x16xf32, #tpu.memory_space<hbm>> -> memref<2600000x16xf32, #tpu.memory_space<hbm>>
    tpu.enqueue_indirect_dma source(%dma_start3A_191 : memref<2600000x16xf32, #tpu.memory_space<hbm>>) target(%dma_start3A_186 : memref<128x16xf32, #tpu.memory_space<vmem>>) offsets(%dma_start3A_188 : memref<128xi32, #tpu.memory_space<vmem>>) semaphore(%arg8 : memref<!tpu.dma_semaphore, #tpu.memory_space<semaphore_mem>>)
    %dma_start3A_192 = arith.constant 3072 : i32
    %dma_start3A_193 = arith.constant 0 : i32
    %dma_start3A_194 = tpu.memref_slice %arg6[%dma_start3A_192, %dma_start3A_193] : memref<3328x16xf32, #tpu.memory_space<vmem>> -> memref<128x16xf32, #tpu.memory_space<vmem>>
    %dma_start3A_195 = arith.constant 3072 : i32
    %dma_start3A_196 = tpu.memref_slice %arg5[%dma_start3A_195] : memref<3328xi32, #tpu.memory_space<vmem>> -> memref<128xi32, #tpu.memory_space<vmem>>
    %dma_start3A_197 = arith.constant 0 : i32
    %dma_start3A_198 = arith.constant 0 : i32
    %dma_start3A_199 = tpu.memref_slice %arg2[%dma_start3A_197, %dma_start3A_198] : memref<2600000x16xf32, #tpu.memory_space<hbm>> -> memref<2600000x16xf32, #tpu.memory_space<hbm>>
    tpu.enqueue_indirect_dma source(%dma_start3A_199 : memref<2600000x16xf32, #tpu.memory_space<hbm>>) target(%dma_start3A_194 : memref<128x16xf32, #tpu.memory_space<vmem>>) offsets(%dma_start3A_196 : memref<128xi32, #tpu.memory_space<vmem>>) semaphore(%arg8 : memref<!tpu.dma_semaphore, #tpu.memory_space<semaphore_mem>>)
    %dma_start3A_200 = arith.constant 3200 : i32
    %dma_start3A_201 = arith.constant 0 : i32
    %dma_start3A_202 = tpu.memref_slice %arg6[%dma_start3A_200, %dma_start3A_201] : memref<3328x16xf32, #tpu.memory_space<vmem>> -> memref<128x16xf32, #tpu.memory_space<vmem>>
    %dma_start3A_203 = arith.constant 3200 : i32
    %dma_start3A_204 = tpu.memref_slice %arg5[%dma_start3A_203] : memref<3328xi32, #tpu.memory_space<vmem>> -> memref<128xi32, #tpu.memory_space<vmem>>
    %dma_start3A_205 = arith.constant 0 : i32
    %dma_start3A_206 = arith.constant 0 : i32
    %dma_start3A_207 = tpu.memref_slice %arg2[%dma_start3A_205, %dma_start3A_206] : memref<2600000x16xf32, #tpu.memory_space<hbm>> -> memref<2600000x16xf32, #tpu.memory_space<hbm>>
    tpu.enqueue_indirect_dma source(%dma_start3A_207 : memref<2600000x16xf32, #tpu.memory_space<hbm>>) target(%dma_start3A_202 : memref<128x16xf32, #tpu.memory_space<vmem>>) offsets(%dma_start3A_204 : memref<128xi32, #tpu.memory_space<vmem>>) semaphore(%arg8 : memref<!tpu.dma_semaphore, #tpu.memory_space<semaphore_mem>>)
    %dma_wait3A = arith.constant 0 : i32
    %dma_wait3A_208 = arith.constant 0 : i32
    %dma_wait3A_209 = tpu.memref_slice %arg6[%dma_wait3A, %dma_wait3A_208] : memref<3328x16xf32, #tpu.memory_space<vmem>> -> memref<128x16xf32, #tpu.memory_space<vmem>>
    %dma_wait3A_210 = arith.constant 0 : i32
    %dma_wait3A_211 = tpu.memref_slice %arg5[%dma_wait3A_210] : memref<3328xi32, #tpu.memory_space<vmem>> -> memref<128xi32, #tpu.memory_space<vmem>>
    %dma_wait3A_212 = arith.constant 0 : i32
    %dma_wait3A_213 = arith.constant 0 : i32
    %dma_wait3A_214 = tpu.memref_slice %arg2[%dma_wait3A_212, %dma_wait3A_213] : memref<2600000x16xf32, #tpu.memory_space<hbm>> -> memref<2600000x16xf32, #tpu.memory_space<hbm>>
    tpu.wait_indirect_dma semaphore(%arg8 : memref<!tpu.dma_semaphore, #tpu.memory_space<semaphore_mem>>) src(%dma_wait3A_214 : memref<2600000x16xf32, #tpu.memory_space<hbm>>) dst(%dma_wait3A_209 : memref<128x16xf32, #tpu.memory_space<vmem>>)
    %dma_wait3A_215 = arith.constant 128 : i32
    %dma_wait3A_216 = arith.constant 0 : i32
    %dma_wait3A_217 = tpu.memref_slice %arg6[%dma_wait3A_215, %dma_wait3A_216] : memref<3328x16xf32, #tpu.memory_space<vmem>> -> memref<128x16xf32, #tpu.memory_space<vmem>>
    %dma_wait3A_218 = arith.constant 128 : i32
    %dma_wait3A_219 = tpu.memref_slice %arg5[%dma_wait3A_218] : memref<3328xi32, #tpu.memory_space<vmem>> -> memref<128xi32, #tpu.memory_space<vmem>>
    %dma_wait3A_220 = arith.constant 0 : i32
    %dma_wait3A_221 = arith.constant 0 : i32
    %dma_wait3A_222 = tpu.memref_slice %arg2[%dma_wait3A_220, %dma_wait3A_221] : memref<2600000x16xf32, #tpu.memory_space<hbm>> -> memref<2600000x16xf32, #tpu.memory_space<hbm>>
    tpu.wait_indirect_dma semaphore(%arg8 : memref<!tpu.dma_semaphore, #tpu.memory_space<semaphore_mem>>) src(%dma_wait3A_222 : memref<2600000x16xf32, #tpu.memory_space<hbm>>) dst(%dma_wait3A_217 : memref<128x16xf32, #tpu.memory_space<vmem>>)
    %dma_wait3A_223 = arith.constant 256 : i32
    %dma_wait3A_224 = arith.constant 0 : i32
    %dma_wait3A_225 = tpu.memref_slice %arg6[%dma_wait3A_223, %dma_wait3A_224] : memref<3328x16xf32, #tpu.memory_space<vmem>> -> memref<128x16xf32, #tpu.memory_space<vmem>>
    %dma_wait3A_226 = arith.constant 256 : i32
    %dma_wait3A_227 = tpu.memref_slice %arg5[%dma_wait3A_226] : memref<3328xi32, #tpu.memory_space<vmem>> -> memref<128xi32, #tpu.memory_space<vmem>>
    %dma_wait3A_228 = arith.constant 0 : i32
    %dma_wait3A_229 = arith.constant 0 : i32
    %dma_wait3A_230 = tpu.memref_slice %arg2[%dma_wait3A_228, %dma_wait3A_229] : memref<2600000x16xf32, #tpu.memory_space<hbm>> -> memref<2600000x16xf32, #tpu.memory_space<hbm>>
    tpu.wait_indirect_dma semaphore(%arg8 : memref<!tpu.dma_semaphore, #tpu.memory_space<semaphore_mem>>) src(%dma_wait3A_230 : memref<2600000x16xf32, #tpu.memory_space<hbm>>) dst(%dma_wait3A_225 : memref<128x16xf32, #tpu.memory_space<vmem>>)
    %dma_wait3A_231 = arith.constant 384 : i32
    %dma_wait3A_232 = arith.constant 0 : i32
    %dma_wait3A_233 = tpu.memref_slice %arg6[%dma_wait3A_231, %dma_wait3A_232] : memref<3328x16xf32, #tpu.memory_space<vmem>> -> memref<128x16xf32, #tpu.memory_space<vmem>>
    %dma_wait3A_234 = arith.constant 384 : i32
    %dma_wait3A_235 = tpu.memref_slice %arg5[%dma_wait3A_234] : memref<3328xi32, #tpu.memory_space<vmem>> -> memref<128xi32, #tpu.memory_space<vmem>>
    %dma_wait3A_236 = arith.constant 0 : i32
    %dma_wait3A_237 = arith.constant 0 : i32
    %dma_wait3A_238 = tpu.memref_slice %arg2[%dma_wait3A_236, %dma_wait3A_237] : memref<2600000x16xf32, #tpu.memory_space<hbm>> -> memref<2600000x16xf32, #tpu.memory_space<hbm>>
    tpu.wait_indirect_dma semaphore(%arg8 : memref<!tpu.dma_semaphore, #tpu.memory_space<semaphore_mem>>) src(%dma_wait3A_238 : memref<2600000x16xf32, #tpu.memory_space<hbm>>) dst(%dma_wait3A_233 : memref<128x16xf32, #tpu.memory_space<vmem>>)
    %dma_wait3A_239 = arith.constant 512 : i32
    %dma_wait3A_240 = arith.constant 0 : i32
    %dma_wait3A_241 = tpu.memref_slice %arg6[%dma_wait3A_239, %dma_wait3A_240] : memref<3328x16xf32, #tpu.memory_space<vmem>> -> memref<128x16xf32, #tpu.memory_space<vmem>>
    %dma_wait3A_242 = arith.constant 512 : i32
    %dma_wait3A_243 = tpu.memref_slice %arg5[%dma_wait3A_242] : memref<3328xi32, #tpu.memory_space<vmem>> -> memref<128xi32, #tpu.memory_space<vmem>>
    %dma_wait3A_244 = arith.constant 0 : i32
    %dma_wait3A_245 = arith.constant 0 : i32
    %dma_wait3A_246 = tpu.memref_slice %arg2[%dma_wait3A_244, %dma_wait3A_245] : memref<2600000x16xf32, #tpu.memory_space<hbm>> -> memref<2600000x16xf32, #tpu.memory_space<hbm>>
    tpu.wait_indirect_dma semaphore(%arg8 : memref<!tpu.dma_semaphore, #tpu.memory_space<semaphore_mem>>) src(%dma_wait3A_246 : memref<2600000x16xf32, #tpu.memory_space<hbm>>) dst(%dma_wait3A_241 : memref<128x16xf32, #tpu.memory_space<vmem>>)
    %dma_wait3A_247 = arith.constant 640 : i32
    %dma_wait3A_248 = arith.constant 0 : i32
    %dma_wait3A_249 = tpu.memref_slice %arg6[%dma_wait3A_247, %dma_wait3A_248] : memref<3328x16xf32, #tpu.memory_space<vmem>> -> memref<128x16xf32, #tpu.memory_space<vmem>>
    %dma_wait3A_250 = arith.constant 640 : i32
    %dma_wait3A_251 = tpu.memref_slice %arg5[%dma_wait3A_250] : memref<3328xi32, #tpu.memory_space<vmem>> -> memref<128xi32, #tpu.memory_space<vmem>>
    %dma_wait3A_252 = arith.constant 0 : i32
    %dma_wait3A_253 = arith.constant 0 : i32
    %dma_wait3A_254 = tpu.memref_slice %arg2[%dma_wait3A_252, %dma_wait3A_253] : memref<2600000x16xf32, #tpu.memory_space<hbm>> -> memref<2600000x16xf32, #tpu.memory_space<hbm>>
    tpu.wait_indirect_dma semaphore(%arg8 : memref<!tpu.dma_semaphore, #tpu.memory_space<semaphore_mem>>) src(%dma_wait3A_254 : memref<2600000x16xf32, #tpu.memory_space<hbm>>) dst(%dma_wait3A_249 : memref<128x16xf32, #tpu.memory_space<vmem>>)
    %dma_wait3A_255 = arith.constant 768 : i32
    %dma_wait3A_256 = arith.constant 0 : i32
    %dma_wait3A_257 = tpu.memref_slice %arg6[%dma_wait3A_255, %dma_wait3A_256] : memref<3328x16xf32, #tpu.memory_space<vmem>> -> memref<128x16xf32, #tpu.memory_space<vmem>>
    %dma_wait3A_258 = arith.constant 768 : i32
    %dma_wait3A_259 = tpu.memref_slice %arg5[%dma_wait3A_258] : memref<3328xi32, #tpu.memory_space<vmem>> -> memref<128xi32, #tpu.memory_space<vmem>>
    %dma_wait3A_260 = arith.constant 0 : i32
    %dma_wait3A_261 = arith.constant 0 : i32
    %dma_wait3A_262 = tpu.memref_slice %arg2[%dma_wait3A_260, %dma_wait3A_261] : memref<2600000x16xf32, #tpu.memory_space<hbm>> -> memref<2600000x16xf32, #tpu.memory_space<hbm>>
    tpu.wait_indirect_dma semaphore(%arg8 : memref<!tpu.dma_semaphore, #tpu.memory_space<semaphore_mem>>) src(%dma_wait3A_262 : memref<2600000x16xf32, #tpu.memory_space<hbm>>) dst(%dma_wait3A_257 : memref<128x16xf32, #tpu.memory_space<vmem>>)
    %dma_wait3A_263 = arith.constant 896 : i32
    %dma_wait3A_264 = arith.constant 0 : i32
    %dma_wait3A_265 = tpu.memref_slice %arg6[%dma_wait3A_263, %dma_wait3A_264] : memref<3328x16xf32, #tpu.memory_space<vmem>> -> memref<128x16xf32, #tpu.memory_space<vmem>>
    %dma_wait3A_266 = arith.constant 896 : i32
    %dma_wait3A_267 = tpu.memref_slice %arg5[%dma_wait3A_266] : memref<3328xi32, #tpu.memory_space<vmem>> -> memref<128xi32, #tpu.memory_space<vmem>>
    %dma_wait3A_268 = arith.constant 0 : i32
    %dma_wait3A_269 = arith.constant 0 : i32
    %dma_wait3A_270 = tpu.memref_slice %arg2[%dma_wait3A_268, %dma_wait3A_269] : memref<2600000x16xf32, #tpu.memory_space<hbm>> -> memref<2600000x16xf32, #tpu.memory_space<hbm>>
    tpu.wait_indirect_dma semaphore(%arg8 : memref<!tpu.dma_semaphore, #tpu.memory_space<semaphore_mem>>) src(%dma_wait3A_270 : memref<2600000x16xf32, #tpu.memory_space<hbm>>) dst(%dma_wait3A_265 : memref<128x16xf32, #tpu.memory_space<vmem>>)
    %dma_wait3A_271 = arith.constant 1024 : i32
    %dma_wait3A_272 = arith.constant 0 : i32
    %dma_wait3A_273 = tpu.memref_slice %arg6[%dma_wait3A_271, %dma_wait3A_272] : memref<3328x16xf32, #tpu.memory_space<vmem>> -> memref<128x16xf32, #tpu.memory_space<vmem>>
    %dma_wait3A_274 = arith.constant 1024 : i32
    %dma_wait3A_275 = tpu.memref_slice %arg5[%dma_wait3A_274] : memref<3328xi32, #tpu.memory_space<vmem>> -> memref<128xi32, #tpu.memory_space<vmem>>
    %dma_wait3A_276 = arith.constant 0 : i32
    %dma_wait3A_277 = arith.constant 0 : i32
    %dma_wait3A_278 = tpu.memref_slice %arg2[%dma_wait3A_276, %dma_wait3A_277] : memref<2600000x16xf32, #tpu.memory_space<hbm>> -> memref<2600000x16xf32, #tpu.memory_space<hbm>>
    tpu.wait_indirect_dma semaphore(%arg8 : memref<!tpu.dma_semaphore, #tpu.memory_space<semaphore_mem>>) src(%dma_wait3A_278 : memref<2600000x16xf32, #tpu.memory_space<hbm>>) dst(%dma_wait3A_273 : memref<128x16xf32, #tpu.memory_space<vmem>>)
    %dma_wait3A_279 = arith.constant 1152 : i32
    %dma_wait3A_280 = arith.constant 0 : i32
    %dma_wait3A_281 = tpu.memref_slice %arg6[%dma_wait3A_279, %dma_wait3A_280] : memref<3328x16xf32, #tpu.memory_space<vmem>> -> memref<128x16xf32, #tpu.memory_space<vmem>>
    %dma_wait3A_282 = arith.constant 1152 : i32
    %dma_wait3A_283 = tpu.memref_slice %arg5[%dma_wait3A_282] : memref<3328xi32, #tpu.memory_space<vmem>> -> memref<128xi32, #tpu.memory_space<vmem>>
    %dma_wait3A_284 = arith.constant 0 : i32
    %dma_wait3A_285 = arith.constant 0 : i32
    %dma_wait3A_286 = tpu.memref_slice %arg2[%dma_wait3A_284, %dma_wait3A_285] : memref<2600000x16xf32, #tpu.memory_space<hbm>> -> memref<2600000x16xf32, #tpu.memory_space<hbm>>
    tpu.wait_indirect_dma semaphore(%arg8 : memref<!tpu.dma_semaphore, #tpu.memory_space<semaphore_mem>>) src(%dma_wait3A_286 : memref<2600000x16xf32, #tpu.memory_space<hbm>>) dst(%dma_wait3A_281 : memref<128x16xf32, #tpu.memory_space<vmem>>)
    %dma_wait3A_287 = arith.constant 1280 : i32
    %dma_wait3A_288 = arith.constant 0 : i32
    %dma_wait3A_289 = tpu.memref_slice %arg6[%dma_wait3A_287, %dma_wait3A_288] : memref<3328x16xf32, #tpu.memory_space<vmem>> -> memref<128x16xf32, #tpu.memory_space<vmem>>
    %dma_wait3A_290 = arith.constant 1280 : i32
    %dma_wait3A_291 = tpu.memref_slice %arg5[%dma_wait3A_290] : memref<3328xi32, #tpu.memory_space<vmem>> -> memref<128xi32, #tpu.memory_space<vmem>>
    %dma_wait3A_292 = arith.constant 0 : i32
    %dma_wait3A_293 = arith.constant 0 : i32
    %dma_wait3A_294 = tpu.memref_slice %arg2[%dma_wait3A_292, %dma_wait3A_293] : memref<2600000x16xf32, #tpu.memory_space<hbm>> -> memref<2600000x16xf32, #tpu.memory_space<hbm>>
    tpu.wait_indirect_dma semaphore(%arg8 : memref<!tpu.dma_semaphore, #tpu.memory_space<semaphore_mem>>) src(%dma_wait3A_294 : memref<2600000x16xf32, #tpu.memory_space<hbm>>) dst(%dma_wait3A_289 : memref<128x16xf32, #tpu.memory_space<vmem>>)
    %dma_wait3A_295 = arith.constant 1408 : i32
    %dma_wait3A_296 = arith.constant 0 : i32
    %dma_wait3A_297 = tpu.memref_slice %arg6[%dma_wait3A_295, %dma_wait3A_296] : memref<3328x16xf32, #tpu.memory_space<vmem>> -> memref<128x16xf32, #tpu.memory_space<vmem>>
    %dma_wait3A_298 = arith.constant 1408 : i32
    %dma_wait3A_299 = tpu.memref_slice %arg5[%dma_wait3A_298] : memref<3328xi32, #tpu.memory_space<vmem>> -> memref<128xi32, #tpu.memory_space<vmem>>
    %dma_wait3A_300 = arith.constant 0 : i32
    %dma_wait3A_301 = arith.constant 0 : i32
    %dma_wait3A_302 = tpu.memref_slice %arg2[%dma_wait3A_300, %dma_wait3A_301] : memref<2600000x16xf32, #tpu.memory_space<hbm>> -> memref<2600000x16xf32, #tpu.memory_space<hbm>>
    tpu.wait_indirect_dma semaphore(%arg8 : memref<!tpu.dma_semaphore, #tpu.memory_space<semaphore_mem>>) src(%dma_wait3A_302 : memref<2600000x16xf32, #tpu.memory_space<hbm>>) dst(%dma_wait3A_297 : memref<128x16xf32, #tpu.memory_space<vmem>>)
    %dma_wait3A_303 = arith.constant 1536 : i32
    %dma_wait3A_304 = arith.constant 0 : i32
    %dma_wait3A_305 = tpu.memref_slice %arg6[%dma_wait3A_303, %dma_wait3A_304] : memref<3328x16xf32, #tpu.memory_space<vmem>> -> memref<128x16xf32, #tpu.memory_space<vmem>>
    %dma_wait3A_306 = arith.constant 1536 : i32
    %dma_wait3A_307 = tpu.memref_slice %arg5[%dma_wait3A_306] : memref<3328xi32, #tpu.memory_space<vmem>> -> memref<128xi32, #tpu.memory_space<vmem>>
    %dma_wait3A_308 = arith.constant 0 : i32
    %dma_wait3A_309 = arith.constant 0 : i32
    %dma_wait3A_310 = tpu.memref_slice %arg2[%dma_wait3A_308, %dma_wait3A_309] : memref<2600000x16xf32, #tpu.memory_space<hbm>> -> memref<2600000x16xf32, #tpu.memory_space<hbm>>
    tpu.wait_indirect_dma semaphore(%arg8 : memref<!tpu.dma_semaphore, #tpu.memory_space<semaphore_mem>>) src(%dma_wait3A_310 : memref<2600000x16xf32, #tpu.memory_space<hbm>>) dst(%dma_wait3A_305 : memref<128x16xf32, #tpu.memory_space<vmem>>)
    %dma_wait3A_311 = arith.constant 1664 : i32
    %dma_wait3A_312 = arith.constant 0 : i32
    %dma_wait3A_313 = tpu.memref_slice %arg6[%dma_wait3A_311, %dma_wait3A_312] : memref<3328x16xf32, #tpu.memory_space<vmem>> -> memref<128x16xf32, #tpu.memory_space<vmem>>
    %dma_wait3A_314 = arith.constant 1664 : i32
    %dma_wait3A_315 = tpu.memref_slice %arg5[%dma_wait3A_314] : memref<3328xi32, #tpu.memory_space<vmem>> -> memref<128xi32, #tpu.memory_space<vmem>>
    %dma_wait3A_316 = arith.constant 0 : i32
    %dma_wait3A_317 = arith.constant 0 : i32
    %dma_wait3A_318 = tpu.memref_slice %arg2[%dma_wait3A_316, %dma_wait3A_317] : memref<2600000x16xf32, #tpu.memory_space<hbm>> -> memref<2600000x16xf32, #tpu.memory_space<hbm>>
    tpu.wait_indirect_dma semaphore(%arg8 : memref<!tpu.dma_semaphore, #tpu.memory_space<semaphore_mem>>) src(%dma_wait3A_318 : memref<2600000x16xf32, #tpu.memory_space<hbm>>) dst(%dma_wait3A_313 : memref<128x16xf32, #tpu.memory_space<vmem>>)
    %dma_wait3A_319 = arith.constant 1792 : i32
    %dma_wait3A_320 = arith.constant 0 : i32
    %dma_wait3A_321 = tpu.memref_slice %arg6[%dma_wait3A_319, %dma_wait3A_320] : memref<3328x16xf32, #tpu.memory_space<vmem>> -> memref<128x16xf32, #tpu.memory_space<vmem>>
    %dma_wait3A_322 = arith.constant 1792 : i32
    %dma_wait3A_323 = tpu.memref_slice %arg5[%dma_wait3A_322] : memref<3328xi32, #tpu.memory_space<vmem>> -> memref<128xi32, #tpu.memory_space<vmem>>
    %dma_wait3A_324 = arith.constant 0 : i32
    %dma_wait3A_325 = arith.constant 0 : i32
    %dma_wait3A_326 = tpu.memref_slice %arg2[%dma_wait3A_324, %dma_wait3A_325] : memref<2600000x16xf32, #tpu.memory_space<hbm>> -> memref<2600000x16xf32, #tpu.memory_space<hbm>>
    tpu.wait_indirect_dma semaphore(%arg8 : memref<!tpu.dma_semaphore, #tpu.memory_space<semaphore_mem>>) src(%dma_wait3A_326 : memref<2600000x16xf32, #tpu.memory_space<hbm>>) dst(%dma_wait3A_321 : memref<128x16xf32, #tpu.memory_space<vmem>>)
    %dma_wait3A_327 = arith.constant 1920 : i32
    %dma_wait3A_328 = arith.constant 0 : i32
    %dma_wait3A_329 = tpu.memref_slice %arg6[%dma_wait3A_327, %dma_wait3A_328] : memref<3328x16xf32, #tpu.memory_space<vmem>> -> memref<128x16xf32, #tpu.memory_space<vmem>>
    %dma_wait3A_330 = arith.constant 1920 : i32
    %dma_wait3A_331 = tpu.memref_slice %arg5[%dma_wait3A_330] : memref<3328xi32, #tpu.memory_space<vmem>> -> memref<128xi32, #tpu.memory_space<vmem>>
    %dma_wait3A_332 = arith.constant 0 : i32
    %dma_wait3A_333 = arith.constant 0 : i32
    %dma_wait3A_334 = tpu.memref_slice %arg2[%dma_wait3A_332, %dma_wait3A_333] : memref<2600000x16xf32, #tpu.memory_space<hbm>> -> memref<2600000x16xf32, #tpu.memory_space<hbm>>
    tpu.wait_indirect_dma semaphore(%arg8 : memref<!tpu.dma_semaphore, #tpu.memory_space<semaphore_mem>>) src(%dma_wait3A_334 : memref<2600000x16xf32, #tpu.memory_space<hbm>>) dst(%dma_wait3A_329 : memref<128x16xf32, #tpu.memory_space<vmem>>)
    %dma_wait3A_335 = arith.constant 2048 : i32
    %dma_wait3A_336 = arith.constant 0 : i32
    %dma_wait3A_337 = tpu.memref_slice %arg6[%dma_wait3A_335, %dma_wait3A_336] : memref<3328x16xf32, #tpu.memory_space<vmem>> -> memref<128x16xf32, #tpu.memory_space<vmem>>
    %dma_wait3A_338 = arith.constant 2048 : i32
    %dma_wait3A_339 = tpu.memref_slice %arg5[%dma_wait3A_338] : memref<3328xi32, #tpu.memory_space<vmem>> -> memref<128xi32, #tpu.memory_space<vmem>>
    %dma_wait3A_340 = arith.constant 0 : i32
    %dma_wait3A_341 = arith.constant 0 : i32
    %dma_wait3A_342 = tpu.memref_slice %arg2[%dma_wait3A_340, %dma_wait3A_341] : memref<2600000x16xf32, #tpu.memory_space<hbm>> -> memref<2600000x16xf32, #tpu.memory_space<hbm>>
    tpu.wait_indirect_dma semaphore(%arg8 : memref<!tpu.dma_semaphore, #tpu.memory_space<semaphore_mem>>) src(%dma_wait3A_342 : memref<2600000x16xf32, #tpu.memory_space<hbm>>) dst(%dma_wait3A_337 : memref<128x16xf32, #tpu.memory_space<vmem>>)
    %dma_wait3A_343 = arith.constant 2176 : i32
    %dma_wait3A_344 = arith.constant 0 : i32
    %dma_wait3A_345 = tpu.memref_slice %arg6[%dma_wait3A_343, %dma_wait3A_344] : memref<3328x16xf32, #tpu.memory_space<vmem>> -> memref<128x16xf32, #tpu.memory_space<vmem>>
    %dma_wait3A_346 = arith.constant 2176 : i32
    %dma_wait3A_347 = tpu.memref_slice %arg5[%dma_wait3A_346] : memref<3328xi32, #tpu.memory_space<vmem>> -> memref<128xi32, #tpu.memory_space<vmem>>
    %dma_wait3A_348 = arith.constant 0 : i32
    %dma_wait3A_349 = arith.constant 0 : i32
    %dma_wait3A_350 = tpu.memref_slice %arg2[%dma_wait3A_348, %dma_wait3A_349] : memref<2600000x16xf32, #tpu.memory_space<hbm>> -> memref<2600000x16xf32, #tpu.memory_space<hbm>>
    tpu.wait_indirect_dma semaphore(%arg8 : memref<!tpu.dma_semaphore, #tpu.memory_space<semaphore_mem>>) src(%dma_wait3A_350 : memref<2600000x16xf32, #tpu.memory_space<hbm>>) dst(%dma_wait3A_345 : memref<128x16xf32, #tpu.memory_space<vmem>>)
    %dma_wait3A_351 = arith.constant 2304 : i32
    %dma_wait3A_352 = arith.constant 0 : i32
    %dma_wait3A_353 = tpu.memref_slice %arg6[%dma_wait3A_351, %dma_wait3A_352] : memref<3328x16xf32, #tpu.memory_space<vmem>> -> memref<128x16xf32, #tpu.memory_space<vmem>>
    %dma_wait3A_354 = arith.constant 2304 : i32
    %dma_wait3A_355 = tpu.memref_slice %arg5[%dma_wait3A_354] : memref<3328xi32, #tpu.memory_space<vmem>> -> memref<128xi32, #tpu.memory_space<vmem>>
    %dma_wait3A_356 = arith.constant 0 : i32
    %dma_wait3A_357 = arith.constant 0 : i32
    %dma_wait3A_358 = tpu.memref_slice %arg2[%dma_wait3A_356, %dma_wait3A_357] : memref<2600000x16xf32, #tpu.memory_space<hbm>> -> memref<2600000x16xf32, #tpu.memory_space<hbm>>
    tpu.wait_indirect_dma semaphore(%arg8 : memref<!tpu.dma_semaphore, #tpu.memory_space<semaphore_mem>>) src(%dma_wait3A_358 : memref<2600000x16xf32, #tpu.memory_space<hbm>>) dst(%dma_wait3A_353 : memref<128x16xf32, #tpu.memory_space<vmem>>)
    %dma_wait3A_359 = arith.constant 2432 : i32
    %dma_wait3A_360 = arith.constant 0 : i32
    %dma_wait3A_361 = tpu.memref_slice %arg6[%dma_wait3A_359, %dma_wait3A_360] : memref<3328x16xf32, #tpu.memory_space<vmem>> -> memref<128x16xf32, #tpu.memory_space<vmem>>
    %dma_wait3A_362 = arith.constant 2432 : i32
    %dma_wait3A_363 = tpu.memref_slice %arg5[%dma_wait3A_362] : memref<3328xi32, #tpu.memory_space<vmem>> -> memref<128xi32, #tpu.memory_space<vmem>>
    %dma_wait3A_364 = arith.constant 0 : i32
    %dma_wait3A_365 = arith.constant 0 : i32
    %dma_wait3A_366 = tpu.memref_slice %arg2[%dma_wait3A_364, %dma_wait3A_365] : memref<2600000x16xf32, #tpu.memory_space<hbm>> -> memref<2600000x16xf32, #tpu.memory_space<hbm>>
    tpu.wait_indirect_dma semaphore(%arg8 : memref<!tpu.dma_semaphore, #tpu.memory_space<semaphore_mem>>) src(%dma_wait3A_366 : memref<2600000x16xf32, #tpu.memory_space<hbm>>) dst(%dma_wait3A_361 : memref<128x16xf32, #tpu.memory_space<vmem>>)
    %dma_wait3A_367 = arith.constant 2560 : i32
    %dma_wait3A_368 = arith.constant 0 : i32
    %dma_wait3A_369 = tpu.memref_slice %arg6[%dma_wait3A_367, %dma_wait3A_368] : memref<3328x16xf32, #tpu.memory_space<vmem>> -> memref<128x16xf32, #tpu.memory_space<vmem>>
    %dma_wait3A_370 = arith.constant 2560 : i32
    %dma_wait3A_371 = tpu.memref_slice %arg5[%dma_wait3A_370] : memref<3328xi32, #tpu.memory_space<vmem>> -> memref<128xi32, #tpu.memory_space<vmem>>
    %dma_wait3A_372 = arith.constant 0 : i32
    %dma_wait3A_373 = arith.constant 0 : i32
    %dma_wait3A_374 = tpu.memref_slice %arg2[%dma_wait3A_372, %dma_wait3A_373] : memref<2600000x16xf32, #tpu.memory_space<hbm>> -> memref<2600000x16xf32, #tpu.memory_space<hbm>>
    tpu.wait_indirect_dma semaphore(%arg8 : memref<!tpu.dma_semaphore, #tpu.memory_space<semaphore_mem>>) src(%dma_wait3A_374 : memref<2600000x16xf32, #tpu.memory_space<hbm>>) dst(%dma_wait3A_369 : memref<128x16xf32, #tpu.memory_space<vmem>>)
    %dma_wait3A_375 = arith.constant 2688 : i32
    %dma_wait3A_376 = arith.constant 0 : i32
    %dma_wait3A_377 = tpu.memref_slice %arg6[%dma_wait3A_375, %dma_wait3A_376] : memref<3328x16xf32, #tpu.memory_space<vmem>> -> memref<128x16xf32, #tpu.memory_space<vmem>>
    %dma_wait3A_378 = arith.constant 2688 : i32
    %dma_wait3A_379 = tpu.memref_slice %arg5[%dma_wait3A_378] : memref<3328xi32, #tpu.memory_space<vmem>> -> memref<128xi32, #tpu.memory_space<vmem>>
    %dma_wait3A_380 = arith.constant 0 : i32
    %dma_wait3A_381 = arith.constant 0 : i32
    %dma_wait3A_382 = tpu.memref_slice %arg2[%dma_wait3A_380, %dma_wait3A_381] : memref<2600000x16xf32, #tpu.memory_space<hbm>> -> memref<2600000x16xf32, #tpu.memory_space<hbm>>
    tpu.wait_indirect_dma semaphore(%arg8 : memref<!tpu.dma_semaphore, #tpu.memory_space<semaphore_mem>>) src(%dma_wait3A_382 : memref<2600000x16xf32, #tpu.memory_space<hbm>>) dst(%dma_wait3A_377 : memref<128x16xf32, #tpu.memory_space<vmem>>)
    %dma_wait3A_383 = arith.constant 2816 : i32
    %dma_wait3A_384 = arith.constant 0 : i32
    %dma_wait3A_385 = tpu.memref_slice %arg6[%dma_wait3A_383, %dma_wait3A_384] : memref<3328x16xf32, #tpu.memory_space<vmem>> -> memref<128x16xf32, #tpu.memory_space<vmem>>
    %dma_wait3A_386 = arith.constant 2816 : i32
    %dma_wait3A_387 = tpu.memref_slice %arg5[%dma_wait3A_386] : memref<3328xi32, #tpu.memory_space<vmem>> -> memref<128xi32, #tpu.memory_space<vmem>>
    %dma_wait3A_388 = arith.constant 0 : i32
    %dma_wait3A_389 = arith.constant 0 : i32
    %dma_wait3A_390 = tpu.memref_slice %arg2[%dma_wait3A_388, %dma_wait3A_389] : memref<2600000x16xf32, #tpu.memory_space<hbm>> -> memref<2600000x16xf32, #tpu.memory_space<hbm>>
    tpu.wait_indirect_dma semaphore(%arg8 : memref<!tpu.dma_semaphore, #tpu.memory_space<semaphore_mem>>) src(%dma_wait3A_390 : memref<2600000x16xf32, #tpu.memory_space<hbm>>) dst(%dma_wait3A_385 : memref<128x16xf32, #tpu.memory_space<vmem>>)
    %dma_wait3A_391 = arith.constant 2944 : i32
    %dma_wait3A_392 = arith.constant 0 : i32
    %dma_wait3A_393 = tpu.memref_slice %arg6[%dma_wait3A_391, %dma_wait3A_392] : memref<3328x16xf32, #tpu.memory_space<vmem>> -> memref<128x16xf32, #tpu.memory_space<vmem>>
    %dma_wait3A_394 = arith.constant 2944 : i32
    %dma_wait3A_395 = tpu.memref_slice %arg5[%dma_wait3A_394] : memref<3328xi32, #tpu.memory_space<vmem>> -> memref<128xi32, #tpu.memory_space<vmem>>
    %dma_wait3A_396 = arith.constant 0 : i32
    %dma_wait3A_397 = arith.constant 0 : i32
    %dma_wait3A_398 = tpu.memref_slice %arg2[%dma_wait3A_396, %dma_wait3A_397] : memref<2600000x16xf32, #tpu.memory_space<hbm>> -> memref<2600000x16xf32, #tpu.memory_space<hbm>>
    tpu.wait_indirect_dma semaphore(%arg8 : memref<!tpu.dma_semaphore, #tpu.memory_space<semaphore_mem>>) src(%dma_wait3A_398 : memref<2600000x16xf32, #tpu.memory_space<hbm>>) dst(%dma_wait3A_393 : memref<128x16xf32, #tpu.memory_space<vmem>>)
    %dma_wait3A_399 = arith.constant 3072 : i32
    %dma_wait3A_400 = arith.constant 0 : i32
    %dma_wait3A_401 = tpu.memref_slice %arg6[%dma_wait3A_399, %dma_wait3A_400] : memref<3328x16xf32, #tpu.memory_space<vmem>> -> memref<128x16xf32, #tpu.memory_space<vmem>>
    %dma_wait3A_402 = arith.constant 3072 : i32
    %dma_wait3A_403 = tpu.memref_slice %arg5[%dma_wait3A_402] : memref<3328xi32, #tpu.memory_space<vmem>> -> memref<128xi32, #tpu.memory_space<vmem>>
    %dma_wait3A_404 = arith.constant 0 : i32
    %dma_wait3A_405 = arith.constant 0 : i32
    %dma_wait3A_406 = tpu.memref_slice %arg2[%dma_wait3A_404, %dma_wait3A_405] : memref<2600000x16xf32, #tpu.memory_space<hbm>> -> memref<2600000x16xf32, #tpu.memory_space<hbm>>
    tpu.wait_indirect_dma semaphore(%arg8 : memref<!tpu.dma_semaphore, #tpu.memory_space<semaphore_mem>>) src(%dma_wait3A_406 : memref<2600000x16xf32, #tpu.memory_space<hbm>>) dst(%dma_wait3A_401 : memref<128x16xf32, #tpu.memory_space<vmem>>)
    %dma_wait3A_407 = arith.constant 3200 : i32
    %dma_wait3A_408 = arith.constant 0 : i32
    %dma_wait3A_409 = tpu.memref_slice %arg6[%dma_wait3A_407, %dma_wait3A_408] : memref<3328x16xf32, #tpu.memory_space<vmem>> -> memref<128x16xf32, #tpu.memory_space<vmem>>
    %dma_wait3A_410 = arith.constant 3200 : i32
    %dma_wait3A_411 = tpu.memref_slice %arg5[%dma_wait3A_410] : memref<3328xi32, #tpu.memory_space<vmem>> -> memref<128xi32, #tpu.memory_space<vmem>>
    %dma_wait3A_412 = arith.constant 0 : i32
    %dma_wait3A_413 = arith.constant 0 : i32
    %dma_wait3A_414 = tpu.memref_slice %arg2[%dma_wait3A_412, %dma_wait3A_413] : memref<2600000x16xf32, #tpu.memory_space<hbm>> -> memref<2600000x16xf32, #tpu.memory_space<hbm>>
    tpu.wait_indirect_dma semaphore(%arg8 : memref<!tpu.dma_semaphore, #tpu.memory_space<semaphore_mem>>) src(%dma_wait3A_414 : memref<2600000x16xf32, #tpu.memory_space<hbm>>) dst(%dma_wait3A_409 : memref<128x16xf32, #tpu.memory_space<vmem>>)
    %scan3A = arith.constant 0 : i32
    %scan3A_415 = arith.constant 0 : i32
    %scan3A_416 = arith.constant 416 : i32
    %scan3A_417 = arith.addi %scan3A_415, %scan3A_416 : i32
    %scan3A_418 = arith.constant 1 : i32
    scf.for %scan3A_420 = %scan3A_415 to %scan3A_417 step %scan3A_418  : i32 {
      %mul3A_421 = arith.constant 8 : i32
      %mul3A_422 = arith.muli %scan3A_420, %mul3A_421 : i32
      %add3A_423 = arith.constant 0 : i32
      %add3A_424 = arith.addi %mul3A_422, %add3A_423 : i32
      %get3A = arith.index_cast %add3A_424 : i32 to index
      %get3A_425 = arith.constant 0 : index
      %get3A_426 = tpu.vector_load %arg6[%get3A, %get3A_425] {strides = array<i32>} : memref<3328x16xf32, #tpu.memory_space<vmem>>, vector<1x16xf32>,
      %get3A_427 = vector.shape_cast %get3A_426 : vector<1x16xf32> to vector<16xf32>
      %swap3A = arith.index_cast %scan3A_420 : i32 to index
      %swap3A_428 = arith.constant 0 : index
      %swap3A_429 = tpu.vector_load %arg7[%swap3A, %swap3A_428] {strides = array<i32>} : memref<416x128xf32, #tpu.memory_space<vmem>>, vector<1x16xf32>,
      %swap3A_430 = vector.shape_cast %swap3A_429 : vector<1x16xf32> to vector<16xf32>
      %swap3A_431 = vector.shape_cast %get3A_427 : vector<16xf32> to vector<1x16xf32>
      tpu.vector_store %arg7[%swap3A, %swap3A_428], %swap3A_431 {strides = array<i32>} : memref<416x128xf32, #tpu.memory_space<vmem>>, vector<1x16xf32>,
      %mul3A_432 = arith.constant 8 : i32
      %mul3A_433 = arith.muli %scan3A_420, %mul3A_432 : i32
      %add3A_434 = arith.constant 1 : i32
      %add3A_435 = arith.addi %mul3A_433, %add3A_434 : i32
      %get3A_436 = arith.index_cast %add3A_435 : i32 to index
      %get3A_437 = arith.constant 0 : index
      %get3A_438 = tpu.vector_load %arg6[%get3A_436, %get3A_437] {strides = array<i32>} : memref<3328x16xf32, #tpu.memory_space<vmem>>, vector<1x16xf32>,
      %get3A_439 = vector.shape_cast %get3A_438 : vector<1x16xf32> to vector<16xf32>
      %swap3A_440 = arith.index_cast %scan3A_420 : i32 to index
      %swap3A_441 = arith.constant 16 : index
      %swap3A_442 = tpu.vector_load %arg7[%swap3A_440, %swap3A_441] {strides = array<i32>} : memref<416x128xf32, #tpu.memory_space<vmem>>, vector<1x16xf32>,
      %swap3A_443 = vector.shape_cast %swap3A_442 : vector<1x16xf32> to vector<16xf32>
      %swap3A_444 = vector.shape_cast %get3A_439 : vector<16xf32> to vector<1x16xf32>
      tpu.vector_store %arg7[%swap3A_440, %swap3A_441], %swap3A_444 {strides = array<i32>} : memref<416x128xf32, #tpu.memory_space<vmem>>, vector<1x16xf32>,
      %mul3A_445 = arith.constant 8 : i32
      %mul3A_446 = arith.muli %scan3A_420, %mul3A_445 : i32
      %add3A_447 = arith.constant 2 : i32
      %add3A_448 = arith.addi %mul3A_446, %add3A_447 : i32
      %get3A_449 = arith.index_cast %add3A_448 : i32 to index
      %get3A_450 = arith.constant 0 : index
      %get3A_451 = tpu.vector_load %arg6[%get3A_449, %get3A_450] {strides = array<i32>} : memref<3328x16xf32, #tpu.memory_space<vmem>>, vector<1x16xf32>,
      %get3A_452 = vector.shape_cast %get3A_451 : vector<1x16xf32> to vector<16xf32>
      %swap3A_453 = arith.index_cast %scan3A_420 : i32 to index
      %swap3A_454 = arith.constant 32 : index
      %swap3A_455 = tpu.vector_load %arg7[%swap3A_453, %swap3A_454] {strides = array<i32>} : memref<416x128xf32, #tpu.memory_space<vmem>>, vector<1x16xf32>,
      %swap3A_456 = vector.shape_cast %swap3A_455 : vector<1x16xf32> to vector<16xf32>
      %swap3A_457 = vector.shape_cast %get3A_452 : vector<16xf32> to vector<1x16xf32>
      tpu.vector_store %arg7[%swap3A_453, %swap3A_454], %swap3A_457 {strides = array<i32>} : memref<416x128xf32, #tpu.memory_space<vmem>>, vector<1x16xf32>,
      %mul3A_458 = arith.constant 8 : i32
      %mul3A_459 = arith.muli %scan3A_420, %mul3A_458 : i32
      %add3A_460 = arith.constant 3 : i32
      %add3A_461 = arith.addi %mul3A_459, %add3A_460 : i32
      %get3A_462 = arith.index_cast %add3A_461 : i32 to index
      %get3A_463 = arith.constant 0 : index
      %get3A_464 = tpu.vector_load %arg6[%get3A_462, %get3A_463] {strides = array<i32>} : memref<3328x16xf32, #tpu.memory_space<vmem>>, vector<1x16xf32>,
      %get3A_465 = vector.shape_cast %get3A_464 : vector<1x16xf32> to vector<16xf32>
      %swap3A_466 = arith.index_cast %scan3A_420 : i32 to index
      %swap3A_467 = arith.constant 48 : index
      %swap3A_468 = tpu.vector_load %arg7[%swap3A_466, %swap3A_467] {strides = array<i32>} : memref<416x128xf32, #tpu.memory_space<vmem>>, vector<1x16xf32>,
      %swap3A_469 = vector.shape_cast %swap3A_468 : vector<1x16xf32> to vector<16xf32>
      %swap3A_470 = vector.shape_cast %get3A_465 : vector<16xf32> to vector<1x16xf32>
      tpu.vector_store %arg7[%swap3A_466, %swap3A_467], %swap3A_470 {strides = array<i32>} : memref<416x128xf32, #tpu.memory_space<vmem>>, vector<1x16xf32>,
      %mul3A_471 = arith.constant 8 : i32
      %mul3A_472 = arith.muli %scan3A_420, %mul3A_471 : i32
      %add3A_473 = arith.constant 4 : i32
      %add3A_474 = arith.addi %mul3A_472, %add3A_473 : i32
      %get3A_475 = arith.index_cast %add3A_474 : i32 to index
      %get3A_476 = arith.constant 0 : index
      %get3A_477 = tpu.vector_load %arg6[%get3A_475, %get3A_476] {strides = array<i32>} : memref<3328x16xf32, #tpu.memory_space<vmem>>, vector<1x16xf32>,
      %get3A_478 = vector.shape_cast %get3A_477 : vector<1x16xf32> to vector<16xf32>
      %swap3A_479 = arith.index_cast %scan3A_420 : i32 to index
      %swap3A_480 = arith.constant 64 : index
      %swap3A_481 = tpu.vector_load %arg7[%swap3A_479, %swap3A_480] {strides = array<i32>} : memref<416x128xf32, #tpu.memory_space<vmem>>, vector<1x16xf32>,
      %swap3A_482 = vector.shape_cast %swap3A_481 : vector<1x16xf32> to vector<16xf32>
      %swap3A_483 = vector.shape_cast %get3A_478 : vector<16xf32> to vector<1x16xf32>
      tpu.vector_store %arg7[%swap3A_479, %swap3A_480], %swap3A_483 {strides = array<i32>} : memref<416x128xf32, #tpu.memory_space<vmem>>, vector<1x16xf32>,
      %mul3A_484 = arith.constant 8 : i32
      %mul3A_485 = arith.muli %scan3A_420, %mul3A_484 : i32
      %add3A_486 = arith.constant 5 : i32
      %add3A_487 = arith.addi %mul3A_485, %add3A_486 : i32
      %get3A_488 = arith.index_cast %add3A_487 : i32 to index
      %get3A_489 = arith.constant 0 : index
      %get3A_490 = tpu.vector_load %arg6[%get3A_488, %get3A_489] {strides = array<i32>} : memref<3328x16xf32, #tpu.memory_space<vmem>>, vector<1x16xf32>,
      %get3A_491 = vector.shape_cast %get3A_490 : vector<1x16xf32> to vector<16xf32>
      %swap3A_492 = arith.index_cast %scan3A_420 : i32 to index
      %swap3A_493 = arith.constant 80 : index
      %swap3A_494 = tpu.vector_load %arg7[%swap3A_492, %swap3A_493] {strides = array<i32>} : memref<416x128xf32, #tpu.memory_space<vmem>>, vector<1x16xf32>,
      %swap3A_495 = vector.shape_cast %swap3A_494 : vector<1x16xf32> to vector<16xf32>
      %swap3A_496 = vector.shape_cast %get3A_491 : vector<16xf32> to vector<1x16xf32>
      tpu.vector_store %arg7[%swap3A_492, %swap3A_493], %swap3A_496 {strides = array<i32>} : memref<416x128xf32, #tpu.memory_space<vmem>>, vector<1x16xf32>,
      %mul3A_497 = arith.constant 8 : i32
      %mul3A_498 = arith.muli %scan3A_420, %mul3A_497 : i32
      %add3A_499 = arith.constant 6 : i32
      %add3A_500 = arith.addi %mul3A_498, %add3A_499 : i32
      %get3A_501 = arith.index_cast %add3A_500 : i32 to index
      %get3A_502 = arith.constant 0 : index
      %get3A_503 = tpu.vector_load %arg6[%get3A_501, %get3A_502] {strides = array<i32>} : memref<3328x16xf32, #tpu.memory_space<vmem>>, vector<1x16xf32>,
      %get3A_504 = vector.shape_cast %get3A_503 : vector<1x16xf32> to vector<16xf32>
      %swap3A_505 = arith.index_cast %scan3A_420 : i32 to index
      %swap3A_506 = arith.constant 96 : index
      %swap3A_507 = tpu.vector_load %arg7[%swap3A_505, %swap3A_506] {strides = array<i32>} : memref<416x128xf32, #tpu.memory_space<vmem>>, vector<1x16xf32>,
      %swap3A_508 = vector.shape_cast %swap3A_507 : vector<1x16xf32> to vector<16xf32>
      %swap3A_509 = vector.shape_cast %get3A_504 : vector<16xf32> to vector<1x16xf32>
      tpu.vector_store %arg7[%swap3A_505, %swap3A_506], %swap3A_509 {strides = array<i32>} : memref<416x128xf32, #tpu.memory_space<vmem>>, vector<1x16xf32>,
      %mul3A_510 = arith.constant 8 : i32
      %mul3A_511 = arith.muli %scan3A_420, %mul3A_510 : i32
      %add3A_512 = arith.constant 7 : i32
      %add3A_513 = arith.addi %mul3A_511, %add3A_512 : i32
      %get3A_514 = arith.index_cast %add3A_513 : i32 to index
      %get3A_515 = arith.constant 0 : index
      %get3A_516 = tpu.vector_load %arg6[%get3A_514, %get3A_515] {strides = array<i32>} : memref<3328x16xf32, #tpu.memory_space<vmem>>, vector<1x16xf32>,
      %get3A_517 = vector.shape_cast %get3A_516 : vector<1x16xf32> to vector<16xf32>
      %swap3A_518 = arith.index_cast %scan3A_420 : i32 to index
      %swap3A_519 = arith.constant 112 : index
      %swap3A_520 = tpu.vector_load %arg7[%swap3A_518, %swap3A_519] {strides = array<i32>} : memref<416x128xf32, #tpu.memory_space<vmem>>, vector<1x16xf32>,
      %swap3A_521 = vector.shape_cast %swap3A_520 : vector<1x16xf32> to vector<16xf32>
      %swap3A_522 = vector.shape_cast %get3A_517 : vector<16xf32> to vector<1x16xf32>
      tpu.vector_store %arg7[%swap3A_518, %swap3A_519], %swap3A_522 {strides = array<i32>} : memref<416x128xf32, #tpu.memory_space<vmem>>, vector<1x16xf32>,
    }
    %scan3A_419 = arith.constant 416 : i32
    "tpu.region"() ({
      %run_scoped3A = tpu.sem_alloc : memref<!tpu.dma_semaphore, #tpu.memory_space<semaphore_mem>>
      %dma_start3A_420 = arith.constant 0 : i32
      %dma_start3A_421 = arith.constant 0 : i32
      %dma_start3A_422 = tpu.memref_slice %arg4[%add3A, %dma_start3A_420, %dma_start3A_421] : memref<32x416x128xf32, #tpu.memory_space<hbm>> -> memref<1x416x128xf32, #tpu.memory_space<hbm>>
      %dma_start3A_423 = tpu.memref_squeeze %dma_start3A_422 : memref<1x416x128xf32, #tpu.memory_space<hbm>> -> memref<416x128xf32, #tpu.memory_space<hbm>>
      %dma_start3A_424 = arith.constant 0 : i32
      %dma_start3A_425 = arith.constant 0 : i32
      %dma_start3A_426 = tpu.memref_slice %arg4[%add3A, %dma_start3A_424, %dma_start3A_425] : memref<32x416x128xf32, #tpu.memory_space<hbm>> -> memref<1x416x128xf32, #tpu.memory_space<hbm>>
      %dma_start3A_427 = tpu.memref_squeeze %dma_start3A_426 : memref<1x416x128xf32, #tpu.memory_space<hbm>> -> memref<416x128xf32, #tpu.memory_space<hbm>>
      tpu.enqueue_dma source(%arg7 : memref<416x128xf32, #tpu.memory_space<vmem>>) target(%dma_start3A_427 : memref<416x128xf32, #tpu.memory_space<hbm>>) target_semaphore(%run_scoped3A : memref<!tpu.dma_semaphore, #tpu.memory_space<semaphore_mem>>)
      %dma_wait3A_428 = arith.constant 0 : i32
      %dma_wait3A_429 = arith.constant 0 : i32
      %dma_wait3A_430 = tpu.memref_slice %arg4[%add3A, %dma_wait3A_428, %dma_wait3A_429] : memref<32x416x128xf32, #tpu.memory_space<hbm>> -> memref<1x416x128xf32, #tpu.memory_space<hbm>>
      %dma_wait3A_431 = tpu.memref_squeeze %dma_wait3A_430 : memref<1x416x128xf32, #tpu.memory_space<hbm>> -> memref<416x128xf32, #tpu.memory_space<hbm>>
      %dma_wait3A_432 = arith.constant 0 : i32
      %dma_wait3A_433 = arith.constant 0 : i32
      %dma_wait3A_434 = tpu.memref_slice %arg4[%add3A, %dma_wait3A_432, %dma_wait3A_433] : memref<32x416x128xf32, #tpu.memory_space<hbm>> -> memref<1x416x128xf32, #tpu.memory_space<hbm>>
      %dma_wait3A_435 = tpu.memref_squeeze %dma_wait3A_434 : memref<1x416x128xf32, #tpu.memory_space<hbm>> -> memref<416x128xf32, #tpu.memory_space<hbm>>
      tpu.wait_dma2 semaphore(%run_scoped3A : memref<!tpu.dma_semaphore, #tpu.memory_space<semaphore_mem>>) src(%arg7 : memref<416x128xf32, #tpu.memory_space<vmem>>) dst(%dma_wait3A_435 : memref<416x128xf32, #tpu.memory_space<hbm>>)
      tpu.yield
    }) : () -> ()
    return
  }
}

module attributes {stable_mosaic.version = 14 : i64} {
  func.func @_att_body(%arg0: i32, %arg1: memref<26x16x128xf32, #tpu.memory_space<vmem>>, %arg2: memref<128x13xf32, #tpu.memory_space<vmem>>, %arg3: memref<8x16x128xf32, #tpu.memory_space<vmem>>, %arg4: memref<8x128xf32, #tpu.memory_space<vmem>>, %arg5: memref<8x128xf32, #tpu.memory_space<vmem>>, %arg6: memref<16x128xf32, #tpu.memory_space<vmem>>, %arg7: memref<13x128xf32, #tpu.memory_space<vmem>>, %arg8: memref<1x128xf32, #tpu.memory_space<vmem>>, %arg9: memref<26x26x128xf32, #tpu.memory_space<vmem>>, %arg10: memref<1x1x128xf32, #tpu.memory_space<vmem>>) attributes {dimension_semantics = [#tpu.dimension_semantics<arbitrary>], iteration_bounds = array<i64: 32>, scalar_prefetch = 0 : i64, scratch_operands = 0 : i64, tpu.core_type = #tpu.core_type<tc>, window_params = [{transform_indices = @transform_0, window_bounds = array<i64: 26, 16, 128>}, {transform_indices = @transform_1, window_bounds = array<i64: 128, 13>}, {pipeline_mode = #tpu.pipeline_mode<synchronous>, transform_indices = @transform_2, window_bounds = array<i64: 8, 16, 128>}, {pipeline_mode = #tpu.pipeline_mode<synchronous>, transform_indices = @transform_3, window_bounds = array<i64: 8, 128>}, {pipeline_mode = #tpu.pipeline_mode<synchronous>, transform_indices = @transform_4, window_bounds = array<i64: 8, 128>}, {pipeline_mode = #tpu.pipeline_mode<synchronous>, transform_indices = @transform_5, window_bounds = array<i64: 16, 128>}, {pipeline_mode = #tpu.pipeline_mode<synchronous>, transform_indices = @transform_6, window_bounds = array<i64: 13, 128>}, {pipeline_mode = #tpu.pipeline_mode<synchronous>, transform_indices = @transform_7, window_bounds = array<i64: 1, 128>}, {pipeline_mode = #tpu.pipeline_mode<synchronous>, transform_indices = @transform_8, window_bounds = array<i64: 26, 26, 128>}, {transform_indices = @transform_9, window_bounds = array<i64: 1, 1, 128>}]} {
    %get3A = arith.constant 0 : index
    %get3A_0 = arith.constant 0 : index
    %get3A_1 = vector.load %arg2[%get3A, %get3A_0] : memref<128x13xf32, #tpu.memory_space<vmem>>, vector<128x13xf32>
    %transpose3A = tpu.transpose %get3A_1, [1, 0] : vector<128x13xf32> -> vector<13x128xf32>
    %get3A_2 = arith.constant 0 : index
    %get3A_3 = arith.constant 0 : index
    %get3A_4 = arith.constant 0 : index
    %get3A_5 = vector.load %arg1[%get3A_2, %get3A_3, %get3A_4] : memref<26x16x128xf32, #tpu.memory_space<vmem>>, vector<26x16x128xf32>
    %broadcast_in_dim3A = vector.shape_cast %get3A_5 : vector<26x16x128xf32> to vector<26x1x16x128xf32>
    %broadcast_in_dim3A_6 = vector.shape_cast %get3A_5 : vector<26x16x128xf32> to vector<1x26x16x128xf32>
    %mul3A = vector.broadcast %broadcast_in_dim3A : vector<26x1x16x128xf32> to vector<26x26x16x128xf32>
    %mul3A_7 = vector.broadcast %broadcast_in_dim3A_6 : vector<1x26x16x128xf32> to vector<26x26x16x128xf32>
    %mul3A_8 = arith.mulf %mul3A, %mul3A_7 : vector<26x26x16x128xf32>
    %get3A_9 = arith.constant 0 : index
    %get3A_10 = arith.constant 0 : index
    %get3A_11 = arith.constant 0 : index
    %get3A_12 = vector.load %arg9[%get3A_9, %get3A_10, %get3A_11] : memref<26x26x128xf32, #tpu.memory_space<vmem>>, vector<26x26x128xf32>
    %get3A_13 = arith.constant 0 : index
    %get3A_14 = arith.constant 0 : index
    %get3A_15 = arith.constant 0 : index
    %get3A_16 = vector.load %arg3[%get3A_13, %get3A_14, %get3A_15] : memref<8x16x128xf32, #tpu.memory_space<vmem>>, vector<1x16x128xf32>
    %get3A_17 = vector.shape_cast %get3A_16 : vector<1x16x128xf32> to vector<16x128xf32>
    %broadcast_in_dim3A_18 = vector.shape_cast %get3A_17 : vector<16x128xf32> to vector<1x1x16x128xf32>
    %mul3A_19 = vector.broadcast %broadcast_in_dim3A_18 : vector<1x1x16x128xf32> to vector<26x26x16x128xf32>
    %mul3A_20 = arith.mulf %mul3A_8, %mul3A_19 : vector<26x26x16x128xf32>
    %reduce_sum3A = arith.constant dense<0.000000e+00> : vector<26x26x128xf32>
    %reduce_sum3A_21 = vector.multi_reduction <add>, %mul3A_20, %reduce_sum3A [2] : vector<26x26x16x128xf32> to vector<26x26x128xf32>
    %get3A_22 = arith.constant 0 : index
    %get3A_23 = arith.constant 0 : index
    %get3A_24 = vector.load %arg4[%get3A_22, %get3A_23] : memref<8x128xf32, #tpu.memory_space<vmem>>, vector<1x128xf32>
    %get3A_25 = vector.shape_cast %get3A_24 : vector<1x128xf32> to vector<128xf32>
    %broadcast_in_dim3A_26 = vector.shape_cast %get3A_25 : vector<128xf32> to vector<1x1x128xf32>
    %add3A = vector.broadcast %broadcast_in_dim3A_26 : vector<1x1x128xf32> to vector<26x26x128xf32>
    %add3A_27 = arith.addf %reduce_sum3A_21, %add3A : vector<26x26x128xf32>
    %max3A = arith.constant 0.000000e+00 : f32
    %max3A_28 = vector.broadcast %max3A : f32 to vector<26x26x128xf32>
    %max3A_29 = arith.maximumf %add3A_27, %max3A_28 : vector<26x26x128xf32>
    %get3A_30 = arith.constant 0 : index
    %get3A_31 = arith.constant 0 : index
    %get3A_32 = vector.load %arg5[%get3A_30, %get3A_31] : memref<8x128xf32, #tpu.memory_space<vmem>>, vector<1x128xf32>
    %get3A_33 = vector.shape_cast %get3A_32 : vector<1x128xf32> to vector<128xf32>
    %broadcast_in_dim3A_34 = vector.shape_cast %get3A_33 : vector<128xf32> to vector<1x1x128xf32>
    %mul3A_35 = vector.broadcast %broadcast_in_dim3A_34 : vector<1x1x128xf32> to vector<26x26x128xf32>
    %mul3A_36 = arith.mulf %max3A_29, %mul3A_35 : vector<26x26x128xf32>
    %add3A_37 = arith.addf %get3A_12, %mul3A_36 : vector<26x26x128xf32>
    %get3A_38 = arith.constant 1 : index
    %get3A_39 = arith.constant 0 : index
    %get3A_40 = arith.constant 0 : index
    %get3A_41 = vector.load %arg3[%get3A_38, %get3A_39, %get3A_40] : memref<8x16x128xf32, #tpu.memory_space<vmem>>, vector<1x16x128xf32>
    %get3A_42 = vector.shape_cast %get3A_41 : vector<1x16x128xf32> to vector<16x128xf32>
    %broadcast_in_dim3A_43 = vector.shape_cast %get3A_42 : vector<16x128xf32> to vector<1x1x16x128xf32>
    %mul3A_44 = vector.broadcast %broadcast_in_dim3A_43 : vector<1x1x16x128xf32> to vector<26x26x16x128xf32>
    %mul3A_45 = arith.mulf %mul3A_8, %mul3A_44 : vector<26x26x16x128xf32>
    %reduce_sum3A_46 = arith.constant dense<0.000000e+00> : vector<26x26x128xf32>
    %reduce_sum3A_47 = vector.multi_reduction <add>, %mul3A_45, %reduce_sum3A_46 [2] : vector<26x26x16x128xf32> to vector<26x26x128xf32>
    %get3A_48 = arith.constant 1 : index
    %get3A_49 = arith.constant 0 : index
    %get3A_50 = vector.load %arg4[%get3A_48, %get3A_49] : memref<8x128xf32, #tpu.memory_space<vmem>>, vector<1x128xf32>
    %get3A_51 = vector.shape_cast %get3A_50 : vector<1x128xf32> to vector<128xf32>
    %broadcast_in_dim3A_52 = vector.shape_cast %get3A_51 : vector<128xf32> to vector<1x1x128xf32>
    %add3A_53 = vector.broadcast %broadcast_in_dim3A_52 : vector<1x1x128xf32> to vector<26x26x128xf32>
    %add3A_54 = arith.addf %reduce_sum3A_47, %add3A_53 : vector<26x26x128xf32>
    %max3A_55 = arith.constant 0.000000e+00 : f32
    %max3A_56 = vector.broadcast %max3A_55 : f32 to vector<26x26x128xf32>
    %max3A_57 = arith.maximumf %add3A_54, %max3A_56 : vector<26x26x128xf32>
    %get3A_58 = arith.constant 1 : index
    %get3A_59 = arith.constant 0 : index
    %get3A_60 = vector.load %arg5[%get3A_58, %get3A_59] : memref<8x128xf32, #tpu.memory_space<vmem>>, vector<1x128xf32>
    %get3A_61 = vector.shape_cast %get3A_60 : vector<1x128xf32> to vector<128xf32>
    %broadcast_in_dim3A_62 = vector.shape_cast %get3A_61 : vector<128xf32> to vector<1x1x128xf32>
    %mul3A_63 = vector.broadcast %broadcast_in_dim3A_62 : vector<1x1x128xf32> to vector<26x26x128xf32>
    %mul3A_64 = arith.mulf %max3A_57, %mul3A_63 : vector<26x26x128xf32>
    %add3A_65 = arith.addf %add3A_37, %mul3A_64 : vector<26x26x128xf32>
    %get3A_66 = arith.constant 2 : index
    %get3A_67 = arith.constant 0 : index
    %get3A_68 = arith.constant 0 : index
    %get3A_69 = vector.load %arg3[%get3A_66, %get3A_67, %get3A_68] : memref<8x16x128xf32, #tpu.memory_space<vmem>>, vector<1x16x128xf32>
    %get3A_70 = vector.shape_cast %get3A_69 : vector<1x16x128xf32> to vector<16x128xf32>
    %broadcast_in_dim3A_71 = vector.shape_cast %get3A_70 : vector<16x128xf32> to vector<1x1x16x128xf32>
    %mul3A_72 = vector.broadcast %broadcast_in_dim3A_71 : vector<1x1x16x128xf32> to vector<26x26x16x128xf32>
    %mul3A_73 = arith.mulf %mul3A_8, %mul3A_72 : vector<26x26x16x128xf32>
    %reduce_sum3A_74 = arith.constant dense<0.000000e+00> : vector<26x26x128xf32>
    %reduce_sum3A_75 = vector.multi_reduction <add>, %mul3A_73, %reduce_sum3A_74 [2] : vector<26x26x16x128xf32> to vector<26x26x128xf32>
    %get3A_76 = arith.constant 2 : index
    %get3A_77 = arith.constant 0 : index
    %get3A_78 = vector.load %arg4[%get3A_76, %get3A_77] : memref<8x128xf32, #tpu.memory_space<vmem>>, vector<1x128xf32>
    %get3A_79 = vector.shape_cast %get3A_78 : vector<1x128xf32> to vector<128xf32>
    %broadcast_in_dim3A_80 = vector.shape_cast %get3A_79 : vector<128xf32> to vector<1x1x128xf32>
    %add3A_81 = vector.broadcast %broadcast_in_dim3A_80 : vector<1x1x128xf32> to vector<26x26x128xf32>
    %add3A_82 = arith.addf %reduce_sum3A_75, %add3A_81 : vector<26x26x128xf32>
    %max3A_83 = arith.constant 0.000000e+00 : f32
    %max3A_84 = vector.broadcast %max3A_83 : f32 to vector<26x26x128xf32>
    %max3A_85 = arith.maximumf %add3A_82, %max3A_84 : vector<26x26x128xf32>
    %get3A_86 = arith.constant 2 : index
    %get3A_87 = arith.constant 0 : index
    %get3A_88 = vector.load %arg5[%get3A_86, %get3A_87] : memref<8x128xf32, #tpu.memory_space<vmem>>, vector<1x128xf32>
    %get3A_89 = vector.shape_cast %get3A_88 : vector<1x128xf32> to vector<128xf32>
    %broadcast_in_dim3A_90 = vector.shape_cast %get3A_89 : vector<128xf32> to vector<1x1x128xf32>
    %mul3A_91 = vector.broadcast %broadcast_in_dim3A_90 : vector<1x1x128xf32> to vector<26x26x128xf32>
    %mul3A_92 = arith.mulf %max3A_85, %mul3A_91 : vector<26x26x128xf32>
    %add3A_93 = arith.addf %add3A_65, %mul3A_92 : vector<26x26x128xf32>
    %get3A_94 = arith.constant 3 : index
    %get3A_95 = arith.constant 0 : index
    %get3A_96 = arith.constant 0 : index
    %get3A_97 = vector.load %arg3[%get3A_94, %get3A_95, %get3A_96] : memref<8x16x128xf32, #tpu.memory_space<vmem>>, vector<1x16x128xf32>
    %get3A_98 = vector.shape_cast %get3A_97 : vector<1x16x128xf32> to vector<16x128xf32>
    %broadcast_in_dim3A_99 = vector.shape_cast %get3A_98 : vector<16x128xf32> to vector<1x1x16x128xf32>
    %mul3A_100 = vector.broadcast %broadcast_in_dim3A_99 : vector<1x1x16x128xf32> to vector<26x26x16x128xf32>
    %mul3A_101 = arith.mulf %mul3A_8, %mul3A_100 : vector<26x26x16x128xf32>
    %reduce_sum3A_102 = arith.constant dense<0.000000e+00> : vector<26x26x128xf32>
    %reduce_sum3A_103 = vector.multi_reduction <add>, %mul3A_101, %reduce_sum3A_102 [2] : vector<26x26x16x128xf32> to vector<26x26x128xf32>
    %get3A_104 = arith.constant 3 : index
    %get3A_105 = arith.constant 0 : index
    %get3A_106 = vector.load %arg4[%get3A_104, %get3A_105] : memref<8x128xf32, #tpu.memory_space<vmem>>, vector<1x128xf32>
    %get3A_107 = vector.shape_cast %get3A_106 : vector<1x128xf32> to vector<128xf32>
    %broadcast_in_dim3A_108 = vector.shape_cast %get3A_107 : vector<128xf32> to vector<1x1x128xf32>
    %add3A_109 = vector.broadcast %broadcast_in_dim3A_108 : vector<1x1x128xf32> to vector<26x26x128xf32>
    %add3A_110 = arith.addf %reduce_sum3A_103, %add3A_109 : vector<26x26x128xf32>
    %max3A_111 = arith.constant 0.000000e+00 : f32
    %max3A_112 = vector.broadcast %max3A_111 : f32 to vector<26x26x128xf32>
    %max3A_113 = arith.maximumf %add3A_110, %max3A_112 : vector<26x26x128xf32>
    %get3A_114 = arith.constant 3 : index
    %get3A_115 = arith.constant 0 : index
    %get3A_116 = vector.load %arg5[%get3A_114, %get3A_115] : memref<8x128xf32, #tpu.memory_space<vmem>>, vector<1x128xf32>
    %get3A_117 = vector.shape_cast %get3A_116 : vector<1x128xf32> to vector<128xf32>
    %broadcast_in_dim3A_118 = vector.shape_cast %get3A_117 : vector<128xf32> to vector<1x1x128xf32>
    %mul3A_119 = vector.broadcast %broadcast_in_dim3A_118 : vector<1x1x128xf32> to vector<26x26x128xf32>
    %mul3A_120 = arith.mulf %max3A_113, %mul3A_119 : vector<26x26x128xf32>
    %add3A_121 = arith.addf %add3A_93, %mul3A_120 : vector<26x26x128xf32>
    %get3A_122 = arith.constant 4 : index
    %get3A_123 = arith.constant 0 : index
    %get3A_124 = arith.constant 0 : index
    %get3A_125 = vector.load %arg3[%get3A_122, %get3A_123, %get3A_124] : memref<8x16x128xf32, #tpu.memory_space<vmem>>, vector<1x16x128xf32>
    %get3A_126 = vector.shape_cast %get3A_125 : vector<1x16x128xf32> to vector<16x128xf32>
    %broadcast_in_dim3A_127 = vector.shape_cast %get3A_126 : vector<16x128xf32> to vector<1x1x16x128xf32>
    %mul3A_128 = vector.broadcast %broadcast_in_dim3A_127 : vector<1x1x16x128xf32> to vector<26x26x16x128xf32>
    %mul3A_129 = arith.mulf %mul3A_8, %mul3A_128 : vector<26x26x16x128xf32>
    %reduce_sum3A_130 = arith.constant dense<0.000000e+00> : vector<26x26x128xf32>
    %reduce_sum3A_131 = vector.multi_reduction <add>, %mul3A_129, %reduce_sum3A_130 [2] : vector<26x26x16x128xf32> to vector<26x26x128xf32>
    %get3A_132 = arith.constant 4 : index
    %get3A_133 = arith.constant 0 : index
    %get3A_134 = vector.load %arg4[%get3A_132, %get3A_133] : memref<8x128xf32, #tpu.memory_space<vmem>>, vector<1x128xf32>
    %get3A_135 = vector.shape_cast %get3A_134 : vector<1x128xf32> to vector<128xf32>
    %broadcast_in_dim3A_136 = vector.shape_cast %get3A_135 : vector<128xf32> to vector<1x1x128xf32>
    %add3A_137 = vector.broadcast %broadcast_in_dim3A_136 : vector<1x1x128xf32> to vector<26x26x128xf32>
    %add3A_138 = arith.addf %reduce_sum3A_131, %add3A_137 : vector<26x26x128xf32>
    %max3A_139 = arith.constant 0.000000e+00 : f32
    %max3A_140 = vector.broadcast %max3A_139 : f32 to vector<26x26x128xf32>
    %max3A_141 = arith.maximumf %add3A_138, %max3A_140 : vector<26x26x128xf32>
    %get3A_142 = arith.constant 4 : index
    %get3A_143 = arith.constant 0 : index
    %get3A_144 = vector.load %arg5[%get3A_142, %get3A_143] : memref<8x128xf32, #tpu.memory_space<vmem>>, vector<1x128xf32>
    %get3A_145 = vector.shape_cast %get3A_144 : vector<1x128xf32> to vector<128xf32>
    %broadcast_in_dim3A_146 = vector.shape_cast %get3A_145 : vector<128xf32> to vector<1x1x128xf32>
    %mul3A_147 = vector.broadcast %broadcast_in_dim3A_146 : vector<1x1x128xf32> to vector<26x26x128xf32>
    %mul3A_148 = arith.mulf %max3A_141, %mul3A_147 : vector<26x26x128xf32>
    %add3A_149 = arith.addf %add3A_121, %mul3A_148 : vector<26x26x128xf32>
    %get3A_150 = arith.constant 5 : index
    %get3A_151 = arith.constant 0 : index
    %get3A_152 = arith.constant 0 : index
    %get3A_153 = vector.load %arg3[%get3A_150, %get3A_151, %get3A_152] : memref<8x16x128xf32, #tpu.memory_space<vmem>>, vector<1x16x128xf32>
    %get3A_154 = vector.shape_cast %get3A_153 : vector<1x16x128xf32> to vector<16x128xf32>
    %broadcast_in_dim3A_155 = vector.shape_cast %get3A_154 : vector<16x128xf32> to vector<1x1x16x128xf32>
    %mul3A_156 = vector.broadcast %broadcast_in_dim3A_155 : vector<1x1x16x128xf32> to vector<26x26x16x128xf32>
    %mul3A_157 = arith.mulf %mul3A_8, %mul3A_156 : vector<26x26x16x128xf32>
    %reduce_sum3A_158 = arith.constant dense<0.000000e+00> : vector<26x26x128xf32>
    %reduce_sum3A_159 = vector.multi_reduction <add>, %mul3A_157, %reduce_sum3A_158 [2] : vector<26x26x16x128xf32> to vector<26x26x128xf32>
    %get3A_160 = arith.constant 5 : index
    %get3A_161 = arith.constant 0 : index
    %get3A_162 = vector.load %arg4[%get3A_160, %get3A_161] : memref<8x128xf32, #tpu.memory_space<vmem>>, vector<1x128xf32>
    %get3A_163 = vector.shape_cast %get3A_162 : vector<1x128xf32> to vector<128xf32>
    %broadcast_in_dim3A_164 = vector.shape_cast %get3A_163 : vector<128xf32> to vector<1x1x128xf32>
    %add3A_165 = vector.broadcast %broadcast_in_dim3A_164 : vector<1x1x128xf32> to vector<26x26x128xf32>
    %add3A_166 = arith.addf %reduce_sum3A_159, %add3A_165 : vector<26x26x128xf32>
    %max3A_167 = arith.constant 0.000000e+00 : f32
    %max3A_168 = vector.broadcast %max3A_167 : f32 to vector<26x26x128xf32>
    %max3A_169 = arith.maximumf %add3A_166, %max3A_168 : vector<26x26x128xf32>
    %get3A_170 = arith.constant 5 : index
    %get3A_171 = arith.constant 0 : index
    %get3A_172 = vector.load %arg5[%get3A_170, %get3A_171] : memref<8x128xf32, #tpu.memory_space<vmem>>, vector<1x128xf32>
    %get3A_173 = vector.shape_cast %get3A_172 : vector<1x128xf32> to vector<128xf32>
    %broadcast_in_dim3A_174 = vector.shape_cast %get3A_173 : vector<128xf32> to vector<1x1x128xf32>
    %mul3A_175 = vector.broadcast %broadcast_in_dim3A_174 : vector<1x1x128xf32> to vector<26x26x128xf32>
    %mul3A_176 = arith.mulf %max3A_169, %mul3A_175 : vector<26x26x128xf32>
    %add3A_177 = arith.addf %add3A_149, %mul3A_176 : vector<26x26x128xf32>
    %get3A_178 = arith.constant 6 : index
    %get3A_179 = arith.constant 0 : index
    %get3A_180 = arith.constant 0 : index
    %get3A_181 = vector.load %arg3[%get3A_178, %get3A_179, %get3A_180] : memref<8x16x128xf32, #tpu.memory_space<vmem>>, vector<1x16x128xf32>
    %get3A_182 = vector.shape_cast %get3A_181 : vector<1x16x128xf32> to vector<16x128xf32>
    %broadcast_in_dim3A_183 = vector.shape_cast %get3A_182 : vector<16x128xf32> to vector<1x1x16x128xf32>
    %mul3A_184 = vector.broadcast %broadcast_in_dim3A_183 : vector<1x1x16x128xf32> to vector<26x26x16x128xf32>
    %mul3A_185 = arith.mulf %mul3A_8, %mul3A_184 : vector<26x26x16x128xf32>
    %reduce_sum3A_186 = arith.constant dense<0.000000e+00> : vector<26x26x128xf32>
    %reduce_sum3A_187 = vector.multi_reduction <add>, %mul3A_185, %reduce_sum3A_186 [2] : vector<26x26x16x128xf32> to vector<26x26x128xf32>
    %get3A_188 = arith.constant 6 : index
    %get3A_189 = arith.constant 0 : index
    %get3A_190 = vector.load %arg4[%get3A_188, %get3A_189] : memref<8x128xf32, #tpu.memory_space<vmem>>, vector<1x128xf32>
    %get3A_191 = vector.shape_cast %get3A_190 : vector<1x128xf32> to vector<128xf32>
    %broadcast_in_dim3A_192 = vector.shape_cast %get3A_191 : vector<128xf32> to vector<1x1x128xf32>
    %add3A_193 = vector.broadcast %broadcast_in_dim3A_192 : vector<1x1x128xf32> to vector<26x26x128xf32>
    %add3A_194 = arith.addf %reduce_sum3A_187, %add3A_193 : vector<26x26x128xf32>
    %max3A_195 = arith.constant 0.000000e+00 : f32
    %max3A_196 = vector.broadcast %max3A_195 : f32 to vector<26x26x128xf32>
    %max3A_197 = arith.maximumf %add3A_194, %max3A_196 : vector<26x26x128xf32>
    %get3A_198 = arith.constant 6 : index
    %get3A_199 = arith.constant 0 : index
    %get3A_200 = vector.load %arg5[%get3A_198, %get3A_199] : memref<8x128xf32, #tpu.memory_space<vmem>>, vector<1x128xf32>
    %get3A_201 = vector.shape_cast %get3A_200 : vector<1x128xf32> to vector<128xf32>
    %broadcast_in_dim3A_202 = vector.shape_cast %get3A_201 : vector<128xf32> to vector<1x1x128xf32>
    %mul3A_203 = vector.broadcast %broadcast_in_dim3A_202 : vector<1x1x128xf32> to vector<26x26x128xf32>
    %mul3A_204 = arith.mulf %max3A_197, %mul3A_203 : vector<26x26x128xf32>
    %add3A_205 = arith.addf %add3A_177, %mul3A_204 : vector<26x26x128xf32>
    %get3A_206 = arith.constant 7 : index
    %get3A_207 = arith.constant 0 : index
    %get3A_208 = arith.constant 0 : index
    %get3A_209 = vector.load %arg3[%get3A_206, %get3A_207, %get3A_208] : memref<8x16x128xf32, #tpu.memory_space<vmem>>, vector<1x16x128xf32>
    %get3A_210 = vector.shape_cast %get3A_209 : vector<1x16x128xf32> to vector<16x128xf32>
    %broadcast_in_dim3A_211 = vector.shape_cast %get3A_210 : vector<16x128xf32> to vector<1x1x16x128xf32>
    %mul3A_212 = vector.broadcast %broadcast_in_dim3A_211 : vector<1x1x16x128xf32> to vector<26x26x16x128xf32>
    %mul3A_213 = arith.mulf %mul3A_8, %mul3A_212 : vector<26x26x16x128xf32>
    %reduce_sum3A_214 = arith.constant dense<0.000000e+00> : vector<26x26x128xf32>
    %reduce_sum3A_215 = vector.multi_reduction <add>, %mul3A_213, %reduce_sum3A_214 [2] : vector<26x26x16x128xf32> to vector<26x26x128xf32>
    %get3A_216 = arith.constant 7 : index
    %get3A_217 = arith.constant 0 : index
    %get3A_218 = vector.load %arg4[%get3A_216, %get3A_217] : memref<8x128xf32, #tpu.memory_space<vmem>>, vector<1x128xf32>
    %get3A_219 = vector.shape_cast %get3A_218 : vector<1x128xf32> to vector<128xf32>
    %broadcast_in_dim3A_220 = vector.shape_cast %get3A_219 : vector<128xf32> to vector<1x1x128xf32>
    %add3A_221 = vector.broadcast %broadcast_in_dim3A_220 : vector<1x1x128xf32> to vector<26x26x128xf32>
    %add3A_222 = arith.addf %reduce_sum3A_215, %add3A_221 : vector<26x26x128xf32>
    %max3A_223 = arith.constant 0.000000e+00 : f32
    %max3A_224 = vector.broadcast %max3A_223 : f32 to vector<26x26x128xf32>
    %max3A_225 = arith.maximumf %add3A_222, %max3A_224 : vector<26x26x128xf32>
    %get3A_226 = arith.constant 7 : index
    %get3A_227 = arith.constant 0 : index
    %get3A_228 = vector.load %arg5[%get3A_226, %get3A_227] : memref<8x128xf32, #tpu.memory_space<vmem>>, vector<1x128xf32>
    %get3A_229 = vector.shape_cast %get3A_228 : vector<1x128xf32> to vector<128xf32>
    %broadcast_in_dim3A_230 = vector.shape_cast %get3A_229 : vector<128xf32> to vector<1x1x128xf32>
    %mul3A_231 = vector.broadcast %broadcast_in_dim3A_230 : vector<1x1x128xf32> to vector<26x26x128xf32>
    %mul3A_232 = arith.mulf %max3A_225, %mul3A_231 : vector<26x26x128xf32>
    %add3A_233 = arith.addf %add3A_205, %mul3A_232 : vector<26x26x128xf32>
    %reduce_max3A = arith.constant dense<0xFF800000> : vector<128xf32>
    %reduce_max3A_234 = vector.multi_reduction <maximumf>, %add3A_233, %reduce_max3A [0, 1] : vector<26x26x128xf32> to vector<128xf32>
    %broadcast_in_dim3A_235 = vector.shape_cast %reduce_max3A_234 : vector<128xf32> to vector<1x1x128xf32>
    %sub3A = vector.broadcast %broadcast_in_dim3A_235 : vector<1x1x128xf32> to vector<26x26x128xf32>
    %sub3A_236 = arith.subf %add3A_233, %sub3A : vector<26x26x128xf32>
    %exp3A = math.exp %sub3A_236 : vector<26x26x128xf32>
    %reduce_sum3A_237 = arith.constant dense<0.000000e+00> : vector<128xf32>
    %reduce_sum3A_238 = vector.multi_reduction <add>, %exp3A, %reduce_sum3A_237 [0, 1] : vector<26x26x128xf32> to vector<128xf32>
    %broadcast_in_dim3A_239 = vector.shape_cast %reduce_sum3A_238 : vector<128xf32> to vector<1x1x128xf32>
    %div3A = vector.broadcast %broadcast_in_dim3A_239 : vector<1x1x128xf32> to vector<26x26x128xf32>
    %div3A_240 = arith.divf %exp3A, %div3A : vector<26x26x128xf32>
    %broadcast_in_dim3A_241 = vector.shape_cast %div3A_240 : vector<26x26x128xf32> to vector<26x26x1x128xf32>
    %mul3A_242 = vector.broadcast %broadcast_in_dim3A_241 : vector<26x26x1x128xf32> to vector<26x26x16x128xf32>
    %mul3A_243 = arith.mulf %mul3A_242, %mul3A_8 : vector<26x26x16x128xf32>
    %reduce_sum3A_244 = arith.constant dense<0.000000e+00> : vector<16x128xf32>
    %reduce_sum3A_245 = vector.multi_reduction <add>, %mul3A_243, %reduce_sum3A_244 [0, 1] : vector<26x26x16x128xf32> to vector<16x128xf32>
    %bitcast_convert_type3A = tpu.bitcast %reduce_sum3A_245 : vector<16x128xf32> -> vector<16x128xi32>
    %add3A_246 = arith.constant 32767 : i32
    %add3A_247 = vector.broadcast %add3A_246 : i32 to vector<16x128xi32>
    %add3A_248 = arith.addi %bitcast_convert_type3A, %add3A_247 : vector<16x128xi32>
    %shift_right_logical3A = arith.constant 16 : i32
    %shift_right_logical3A_249 = vector.broadcast %shift_right_logical3A : i32 to vector<16x128xi32>
    %shift_right_logical3A_250 = arith.shrui %bitcast_convert_type3A, %shift_right_logical3A_249 : vector<16x128xi32>
    %and3A = arith.constant 1 : i32
    %and3A_251 = vector.broadcast %and3A : i32 to vector<16x128xi32>
    %and3A_252 = arith.andi %shift_right_logical3A_250, %and3A_251 : vector<16x128xi32>
    %add3A_253 = arith.addi %add3A_248, %and3A_252 : vector<16x128xi32>
    %and3A_254 = arith.constant -65536 : i32
    %and3A_255 = vector.broadcast %and3A_254 : i32 to vector<16x128xi32>
    %and3A_256 = arith.andi %add3A_253, %and3A_255 : vector<16x128xi32>
    %bitcast_convert_type3A_257 = tpu.bitcast %and3A_256 : vector<16x128xi32> -> vector<16x128xf32>
    %bitcast_convert_type3A_258 = tpu.bitcast %transpose3A : vector<13x128xf32> -> vector<13x128xi32>
    %add3A_259 = arith.constant 32767 : i32
    %add3A_260 = vector.broadcast %add3A_259 : i32 to vector<13x128xi32>
    %add3A_261 = arith.addi %bitcast_convert_type3A_258, %add3A_260 : vector<13x128xi32>
    %shift_right_logical3A_262 = arith.constant 16 : i32
    %shift_right_logical3A_263 = vector.broadcast %shift_right_logical3A_262 : i32 to vector<13x128xi32>
    %shift_right_logical3A_264 = arith.shrui %bitcast_convert_type3A_258, %shift_right_logical3A_263 : vector<13x128xi32>
    %and3A_265 = arith.constant 1 : i32
    %and3A_266 = vector.broadcast %and3A_265 : i32 to vector<13x128xi32>
    %and3A_267 = arith.andi %shift_right_logical3A_264, %and3A_266 : vector<13x128xi32>
    %add3A_268 = arith.addi %add3A_261, %and3A_267 : vector<13x128xi32>
    %and3A_269 = arith.constant -65536 : i32
    %and3A_270 = vector.broadcast %and3A_269 : i32 to vector<13x128xi32>
    %and3A_271 = arith.andi %add3A_268, %and3A_270 : vector<13x128xi32>
    %bitcast_convert_type3A_272 = tpu.bitcast %and3A_271 : vector<13x128xi32> -> vector<13x128xf32>
    %get3A_273 = arith.constant 0 : index
    %get3A_274 = arith.constant 0 : index
    %get3A_275 = vector.load %arg6[%get3A_273, %get3A_274] : memref<16x128xf32, #tpu.memory_space<vmem>>, vector<16x128xf32>
    %bitcast_convert_type3A_276 = tpu.bitcast %get3A_275 : vector<16x128xf32> -> vector<16x128xi32>
    %add3A_277 = arith.constant 32767 : i32
    %add3A_278 = vector.broadcast %add3A_277 : i32 to vector<16x128xi32>
    %add3A_279 = arith.addi %bitcast_convert_type3A_276, %add3A_278 : vector<16x128xi32>
    %shift_right_logical3A_280 = arith.constant 16 : i32
    %shift_right_logical3A_281 = vector.broadcast %shift_right_logical3A_280 : i32 to vector<16x128xi32>
    %shift_right_logical3A_282 = arith.shrui %bitcast_convert_type3A_276, %shift_right_logical3A_281 : vector<16x128xi32>
    %and3A_283 = arith.constant 1 : i32
    %and3A_284 = vector.broadcast %and3A_283 : i32 to vector<16x128xi32>
    %and3A_285 = arith.andi %shift_right_logical3A_282, %and3A_284 : vector<16x128xi32>
    %add3A_286 = arith.addi %add3A_279, %and3A_285 : vector<16x128xi32>
    %and3A_287 = arith.constant -65536 : i32
    %and3A_288 = vector.broadcast %and3A_287 : i32 to vector<16x128xi32>
    %and3A_289 = arith.andi %add3A_286, %and3A_288 : vector<16x128xi32>
    %bitcast_convert_type3A_290 = tpu.bitcast %and3A_289 : vector<16x128xi32> -> vector<16x128xf32>
    %mul3A_291 = arith.mulf %bitcast_convert_type3A_257, %bitcast_convert_type3A_290 : vector<16x128xf32>
    %reduce_sum3A_292 = arith.constant dense<0.000000e+00> : vector<128xf32>
    %reduce_sum3A_293 = vector.multi_reduction <add>, %mul3A_291, %reduce_sum3A_292 [0] : vector<16x128xf32> to vector<128xf32>
    %get3A_294 = arith.constant 0 : index
    %get3A_295 = arith.constant 0 : index
    %get3A_296 = vector.load %arg7[%get3A_294, %get3A_295] : memref<13x128xf32, #tpu.memory_space<vmem>>, vector<13x128xf32>
    %bitcast_convert_type3A_297 = tpu.bitcast %get3A_296 : vector<13x128xf32> -> vector<13x128xi32>
    %add3A_298 = arith.constant 32767 : i32
    %add3A_299 = vector.broadcast %add3A_298 : i32 to vector<13x128xi32>
    %add3A_300 = arith.addi %bitcast_convert_type3A_297, %add3A_299 : vector<13x128xi32>
    %shift_right_logical3A_301 = arith.constant 16 : i32
    %shift_right_logical3A_302 = vector.broadcast %shift_right_logical3A_301 : i32 to vector<13x128xi32>
    %shift_right_logical3A_303 = arith.shrui %bitcast_convert_type3A_297, %shift_right_logical3A_302 : vector<13x128xi32>
    %and3A_304 = arith.constant 1 : i32
    %and3A_305 = vector.broadcast %and3A_304 : i32 to vector<13x128xi32>
    %and3A_306 = arith.andi %shift_right_logical3A_303, %and3A_305 : vector<13x128xi32>
    %add3A_307 = arith.addi %add3A_300, %and3A_306 : vector<13x128xi32>
    %and3A_308 = arith.constant -65536 : i32
    %and3A_309 = vector.broadcast %and3A_308 : i32 to vector<13x128xi32>
    %and3A_310 = arith.andi %add3A_307, %and3A_309 : vector<13x128xi32>
    %bitcast_convert_type3A_311 = tpu.bitcast %and3A_310 : vector<13x128xi32> -> vector<13x128xf32>
    %mul3A_312 = arith.mulf %bitcast_convert_type3A_272, %bitcast_convert_type3A_311 : vector<13x128xf32>
    %reduce_sum3A_313 = arith.constant dense<0.000000e+00> : vector<128xf32>
    %reduce_sum3A_314 = vector.multi_reduction <add>, %mul3A_312, %reduce_sum3A_313 [0] : vector<13x128xf32> to vector<128xf32>
    %add3A_315 = arith.addf %reduce_sum3A_293, %reduce_sum3A_314 : vector<128xf32>
    %get3A_316 = arith.constant 0 : index
    %get3A_317 = arith.constant 0 : index
    %get3A_318 = vector.load %arg8[%get3A_316, %get3A_317] : memref<1x128xf32, #tpu.memory_space<vmem>>, vector<1x128xf32>
    %get3A_319 = vector.shape_cast %get3A_318 : vector<1x128xf32> to vector<128xf32>
    %add3A_320 = arith.addf %add3A_315, %get3A_319 : vector<128xf32>
    %logistic3A = arith.negf %add3A_320 : vector<128xf32>
    %logistic3A_321 = math.exp %logistic3A : vector<128xf32>
    %logistic3A_322 = arith.constant 1.000000e+00 : f32
    %logistic3A_323 = vector.broadcast %logistic3A_322 : f32 to vector<128xf32>
    %logistic3A_324 = arith.addf %logistic3A_323, %logistic3A_321 : vector<128xf32>
    %logistic3A_325 = arith.divf %logistic3A_323, %logistic3A_324 : vector<128xf32>
    %broadcast_in_dim3A_326 = vector.shape_cast %logistic3A_325 : vector<128xf32> to vector<1x1x128xf32>
    %swap3A = arith.constant 0 : index
    %swap3A_327 = arith.constant 0 : index
    %swap3A_328 = arith.constant 0 : index
    %swap3A_329 = vector.load %arg10[%swap3A, %swap3A_327, %swap3A_328] : memref<1x1x128xf32, #tpu.memory_space<vmem>>, vector<1x1x128xf32>
    tpu.vector_store %arg10[%swap3A, %swap3A_327, %swap3A_328], %broadcast_in_dim3A_326 {strides = array<i32>} : memref<1x1x128xf32, #tpu.memory_space<vmem>>, vector<1x1x128xf32>,
    return
  }
  func.func @transform_0(%arg0: i32) -> (i32, i32, i32) {
    %c0_i32 = arith.constant 0 : i32
    %c0_i32_0 = arith.constant 0 : i32
    %c0_i32_1 = arith.constant 0 : i32
    return %c0_i32, %c0_i32_0, %arg0 : i32, i32, i32
  }
  func.func @transform_1(%arg0: i32) -> (i32, i32) {
    %c0_i32 = arith.constant 0 : i32
    %c0_i32_0 = arith.constant 0 : i32
    return %arg0, %c0_i32 : i32, i32
  }
  func.func @transform_2(%arg0: i32) -> (i32, i32, i32) {
    %c0_i32 = arith.constant 0 : i32
    %c0_i32_0 = arith.constant 0 : i32
    %c0_i32_1 = arith.constant 0 : i32
    %c0_i32_2 = arith.constant 0 : i32
    return %c0_i32, %c0_i32_0, %c0_i32_1 : i32, i32, i32
  }
  func.func @transform_3(%arg0: i32) -> (i32, i32) {
    %c0_i32 = arith.constant 0 : i32
    %c0_i32_0 = arith.constant 0 : i32
    %c0_i32_1 = arith.constant 0 : i32
    return %c0_i32, %c0_i32_0 : i32, i32
  }
  func.func @transform_4(%arg0: i32) -> (i32, i32) {
    %c0_i32 = arith.constant 0 : i32
    %c0_i32_0 = arith.constant 0 : i32
    %c0_i32_1 = arith.constant 0 : i32
    return %c0_i32, %c0_i32_0 : i32, i32
  }
  func.func @transform_5(%arg0: i32) -> (i32, i32) {
    %c0_i32 = arith.constant 0 : i32
    %c0_i32_0 = arith.constant 0 : i32
    %c0_i32_1 = arith.constant 0 : i32
    return %c0_i32, %c0_i32_0 : i32, i32
  }
  func.func @transform_6(%arg0: i32) -> (i32, i32) {
    %c0_i32 = arith.constant 0 : i32
    %c0_i32_0 = arith.constant 0 : i32
    %c0_i32_1 = arith.constant 0 : i32
    return %c0_i32, %c0_i32_0 : i32, i32
  }
  func.func @transform_7(%arg0: i32) -> (i32, i32) {
    %c0_i32 = arith.constant 0 : i32
    %c0_i32_0 = arith.constant 0 : i32
    %c0_i32_1 = arith.constant 0 : i32
    return %c0_i32, %c0_i32_0 : i32, i32
  }
  func.func @transform_8(%arg0: i32) -> (i32, i32, i32) {
    %c0_i32 = arith.constant 0 : i32
    %c0_i32_0 = arith.constant 0 : i32
    %c0_i32_1 = arith.constant 0 : i32
    %c0_i32_2 = arith.constant 0 : i32
    return %c0_i32, %c0_i32_0, %c0_i32_1 : i32, i32, i32
  }
  func.func @transform_9(%arg0: i32) -> (i32, i32, i32) {
    %c0_i32 = arith.constant 0 : i32
    %c0_i32_0 = arith.constant 0 : i32
    %c0_i32_1 = arith.constant 0 : i32
    return %arg0, %c0_i32, %c0_i32_0 : i32, i32, i32
  }
}

</mosaic_0001>

<sc_bundles>
// kernel: kernel.4.cloned.1.call-start
scs
__scs_entry_jumppad:
0x0: {  	(pc) =	sbr.rel $0x88, $3  }
0x1: {  	(tag) =	ssettag $0x0;
	lr =	simm.s32 $0x1  }
0x2: {  	[smem:$0x3F9A] =	sst lr;
	_ =	strace $0xD0000000  }
0x3: {  	_ = 	snop  }
0x4: {  	_ = 	snop  }
0x5: {  	_ = 	snop  }
0x6: {  	_ = 	snop  }
0x7: {  	_ = 	snop  }
__scs_overlays_trampoline_lowered:
0x8: {  	[smem:$0x3FA9] =	sst s0  }
0x9: {  	[smem:$0x3FAA] =	sst s1  }
0xa: {  	[smem:$0x3FAB] =	sst s2  }
0xb: {  	[smem:$0x3FAC] =	sst s3  }
0xc: {  	[smem:$0x3FAD] =	sst s4  }
0xd: {  	[smem:$0x3FAE] =	sst s5  }
0xe: {  	[smem:$0x3FAF] =	sst s6  }
0xf: {  	[smem:$0x3FB0] =	sst s7  }
0x10: {  	[smem:$0x3FB1] =	sst s8  }
0x11: {  	[smem:$0x3FB2] =	sst s9;
	s0 =	simm.s32 @!p0 $0x0  }
0x12: {  	s1 =	sld [smem:$0x3F98];
	s0 =	simm.s32 @p0 $0x1  }
0x13: {  	[smem:$0x3FB3] =	sst s0;
	s0 =	simm.s32 @!p1 $0x0  }
0x14: {  	s2 =	sld [smem:$0x3F97];
	s0 =	simm.s32 @p1 $0x1  }
0x15: {  	[smem:$0x3FB4] =	sst s0;
	s0 =	simm.s32 @!p2 $0x0  }
0x16: {  	s3 =	sld [smem:$0x3FDB];
	s0 =	simm.s32 @p2 $0x1  }
0x17: {  	s4 =	simm.s32 $0x1BF5;
	[smem:$0x3FB6] =	sst s0  }
0x18: {  	s0 =	sld [smem:$0x3F99];
	_ =	swait.ge [sflag:s4], $0x0  }
0x19: {  	s7 =	sld [smem:$0x3F9A]  }
0x1a: {  	s8 =	sadd.s32 $0xFFFFE003, lr  }
0x1b: {  	s9 =	sadd.s32 $0xFFFFFEF7, lr;
	s5 =	simm.s32 $0xFFFFFFFF;
	p2 =	slt.u32 s8, $0xFFFFF086  }
0x1c: {  	p1 =	slt.u32 s9, $0xF7A;
	s5 =	simm.s32 @!p2 $0x0  }
0x1d: {  	s5 =	simm.s32 @p1 $0x1;
	p0 =	seq.s32 s7, s2  }
0x1e: {  	s7 =	smul.u32 @!p0 $0xF7A, s2;
	p2 =	seq.s32 @!p0 s5, $0x0  }
0x1f: {  	s9 =	smul.u32 $0xF7A, s1;
	s8 =	simm.s32 @!p0 $0x1BF5;
	p2 =	por !p2, p0  }
0x20: {  	[sflag:s8] =	ssyncset.s32 @!p0 $0xFFFFF086;
	s6 =	sadd.s32 @!p0 s3, s7;
	s7 =	simm.s32 @!p0 $0x108  }
0x21: {  	s3 =	sadd.s32 s3, s9;
	s6 =	sadd.s32 @!p0 $0x88, s6;
	s7 =	simm.s32 @p2 $0x1082  }
0x22: {  	[simem:s7], [sflag:s8] =	dma.local @!p0 [hbm:s6], $0xF7A  }
0x23: {  	s9 =	sor.u32 $0xD0000000, s2;
	s6 =	simm.s32 $0x108;
	_ =	swait.ge @!p0 [sflag:s8], $0x0  }
0x24: {  	s3 =	sadd.s32 $0x88, s3;
	s6 =	simm.s32 @!p1 $0x1082;
	[sflag:s4] =	ssyncset.s32 $0xFFFFF086  }
0x25: {  	[simem:s6], [sflag:s4] =	dma.local [hbm:s3], $0xF7A  }
0x26: {  	[smem:$0x3F9A] =	sst s1;
	(tag) =	ssettag s2;
	_ =	strace s9  }
0x27: {  	s1 =	sld [smem:$0x3FAA]  }
0x28: {  	s2 =	sld [smem:$0x3FAB]  }
0x29: {  	s4 =	sld [smem:$0x3FAD]  }
0x2a: {  	p0 =	seq.s32 s5, $0x0;
	s5 =	sld [smem:$0x3FAE]  }
0x2b: {  	s6 =	sld [smem:$0x3FAF]  }
0x2c: {  	s7 =	sld [smem:$0x3FB0]  }
0x2d: {  	s3 =	simm.s32 $0x108;
	s8 =	sld [smem:$0x3FB1]  }
0x2e: {  	s3 =	simm.s32 @!p0 $0x1082;
	s9 =	sld [smem:$0x3FB2]  }
0x2f: {  	lr =	sadd.s32 s0, s3;
	s0 =	sld [smem:$0x3FA9]  }
0x30: {  	s3 =	sld [smem:$0x3FAC]  }
0x31: {  	[smem:$0x3FB5] =	sst s10  }
0x32: {  	s10 =	sld [smem:$0x3FB3];
	_ =	sdelay $0x3  }
0x33: {  	p0 =	seq.s32 s10, $0x1;
	s10 =	sld [smem:$0x3FB5];
	_ =	sdelay $0x3  }
0x34: {  	[smem:$0x3FB5] =	sst s10  }
0x35: {  	s10 =	sld [smem:$0x3FB4];
	_ =	sdelay $0x3  }
0x36: {  	p1 =	seq.s32 s10, $0x1;
	s10 =	sld [smem:$0x3FB5];
	_ =	sdelay $0x3  }
0x37: {  	[smem:$0x3FB5] =	sst s10  }
0x38: {  	s10 =	sld [smem:$0x3FB6]  }
0x39: {  	_ = 	snop;
	(pc) =	sbr.ind lr, $3  }
0x3a: {  	_ = 	snop  }
0x3b: {  	_ = 	snop  }
0x3c: {  	p2 =	seq.s32 s10, $0x1;
	s10 =	sld [smem:$0x3FB5]  }
0x3d: {  	_ =	shalt  }
0x3e: {  	_ =	shalt  }
0x3f: {  	_ =	shalt  }
0x40: {  	_ =	shalt  }
0x41: {  	_ =	shalt  }
0x42: {  	_ =	shalt  }
0x43: {  	_ =	shalt  }
0x44: {  	_ =	shalt  }
0x45: {  	_ =	shalt  }
0x46: {  	_ =	shalt  }
0x47: {  	_ =	shalt  }
0x48: {  	_ =	shalt  }
0x49: {  	_ =	shalt  }
0x4a: {  	_ =	shalt  }
0x4b: {  	_ =	shalt  }
0x4c: {  	_ =	shalt  }
0x4d: {  	_ =	shalt  }
0x4e: {  	_ =	shalt  }
0x4f: {  	_ =	shalt  }
0x50: {  	_ =	shalt  }
0x51: {  	_ =	shalt  }
0x52: {  	_ =	shalt  }
0x53: {  	_ =	shalt  }
0x54: {  	_ =	shalt  }
0x55: {  	_ =	shalt  }
0x56: {  	_ =	shalt  }
0x57: {  	_ =	shalt  }
0x58: {  	_ =	shalt  }
0x59: {  	_ =	shalt  }
0x5a: {  	_ =	shalt  }
0x5b: {  	_ =	shalt  }
0x5c: {  	_ =	shalt  }
0x5d: {  	_ =	shalt  }
0x5e: {  	_ =	shalt  }
0x5f: {  	_ =	shalt  }
0x60: {  	_ =	shalt  }
0x61: {  	_ =	shalt  }
0x62: {  	_ =	shalt  }
0x63: {  	_ =	shalt  }
0x64: {  	_ =	shalt  }
0x65: {  	_ =	shalt  }
0x66: {  	_ =	shalt  }
0x67: {  	_ =	shalt  }
0x68: {  	_ =	shalt  }
0x69: {  	_ =	shalt  }
0x6a: {  	_ =	shalt  }
0x6b: {  	_ =	shalt  }
0x6c: {  	_ =	shalt  }
0x6d: {  	_ =	shalt  }
0x6e: {  	_ =	shalt  }
0x6f: {  	_ =	shalt  }
0x70: {  	_ =	shalt  }
0x71: {  	_ =	shalt  }
0x72: {  	_ =	shalt  }
0x73: {  	_ =	shalt  }
0x74: {  	_ =	shalt  }
0x75: {  	_ =	shalt  }
0x76: {  	_ =	shalt  }
0x77: {  	_ =	shalt  }
0x78: {  	_ =	shalt  }
0x79: {  	_ =	shalt  }
0x7a: {  	_ =	shalt  }
0x7b: {  	_ =	shalt  }
0x7c: {  	_ =	shalt  }
0x7d: {  	_ =	shalt  }
0x7e: {  	_ =	shalt  }
0x7f: {  	_ =	shalt  }
0x80: {  	_ =	shalt  }
0x81: {  	_ =	shalt  }
0x82: {  	_ =	shalt  }
0x83: {  	_ =	shalt  }
0x84: {  	_ =	shalt  }
0x85: {  	_ =	shalt  }
0x86: {  	_ =	shalt  }
0x87: {  	_ =	shalt  }
.Lfunc_end0:
.L_simem_size_0:
called_computation_lowered:
.L_overlay_start_0:
0x88: {  	s2 =	sld [smem:$0x3FD9]  }
0x89: {  	s3 =	sld [smem:$0x3FFE];
	_ =	sdelay $0x1  }
0x8a: {  	s1 =	srdreg.scid  }
0x8b: {  	s0 =	sand.u32 $0x1, s1  }
0x8c: {  	s16 =	sshll.u32 s0, $0xA;
	s2 =	sadd.s32 s3, s2  }
0x8d: {  	s2 =	sadd.s32 s2, s16  }
0x8e: {  	[smem:$0x3FC1] =	sst s2  }
0x8f: {  	_ = 	snop  }
0x90: {  	(tm) =	ssettm $0x1  }
0x91: {  	s17 =	sld [smem:$0x3FFB];
	_ =	sdelay $0x3  }
0x92: {  	_ =	strace s17  }
0x93: {  	s2 =	sld [smem:$0x3FFC];
	_ =	sdelay $0x3  }
0x94: {  	_ =	strace s2  }
0x95: {  	s2 =	sld [smem:$0x3FFD];
	_ =	sdelay $0x3  }
0x96: {  	_ =	strace s2  }
0x97: {  	_ =	strace $0x8FFFFFFF  }
0x98: {  	s18 =	sld [smem:$0x3FDB];
	_ =	sdelay $0x1  }
0x99: {  	s19 =	simm.s32 $_scs_section_size  }
0x9a: {  	s4 =	simm.s32 $_size__tile_overlayer_lowered;
	s5 =	simm.s32 $_tile_overlayer_lowered  }
0x9b: {  	s22 =	simm.s32 $0x1BFF;
	s21 =	sshll.u32 s5, $0x1;
	s2 =	sadd.s32 s19, s18  }
0x9c: {  	s6 =	simm.s32 $0x0;
	s20 =	sshll.u32 s4, $0x1;
	s4 =	sadd.s32 s21, s2  }
0x9d: {  	[timem:s6], [sflag:s22] =	dma.local [hbm:s4], s20  }
0x9e: {  	_ =	swait.ge [sflag:s22], s20  }
0x9f: {  	s3 =	ssub.s32 $0x0, s20;
	[sflag:s22] =	ssyncset.done $0x0  }
0xa0: {  	[sflag:s22] =	ssyncadd.s32 s3;
	_ =	sdelay $0x1  }
0xa1: {  	s23 =	simm.s32 $0x1B8B  }
0xa2: {  	_ =	swait.ge [sflag:s23], $0x1  }
0xa3: {  	[sflag:s23] =	ssyncset.done $0x0  }
0xa4: {  	s25 =	simm.s32 $0x1B8E;
	s24 =	sld [smem:$0x3FFE];
	[sflag:s23] =	ssyncadd.s32 $0xFFFFFFFF  }
0xa5: {  	s26 =	simm.s32 $execute0_lowered;
	[smem:$0x3FD2] =	sst s25  }
0xa6: {  	s4 =	sshll.u32 s26, $0x1;
	_ =	strace $0x80000046;
	[dreg:$0x1] =	wrdreg $0xFFFFFFFF  }
0xa7: {  	s28 =	simm.s32 $_size_execute0_lowered;
	s2 =	sadd.s32 s2, s4;
	[dreg:$0x0] =	wrdreg $0x0  }
0xa8: {  	s4 =	sshll.u32 s28, $0x1;
	[dreg:$0x2] =	wrdreg s2  }
0xa9: {  	[dreg:$0x3] =	wrdreg s4  }
0xaa: {  	[dreg:$0x4] =	wrdreg $0xC0  }
0xab: {  	_ =	task [dreg:s6], $0x5FFFF  }
0xac: {  	[dreg:$0x1] =	wrdreg $0xFFFFFFFF  }
0xad: {  	[dreg:$0x0] =	wrdreg $0x60  }
0xae: {  	[dreg:$0x2] =	wrdreg s24  }
0xaf: {  	[dreg:$0x3] =	wrdreg $0x9  }
0xb0: {  	_ =	task.clear_ibuf [dreg:s6], $0x4FFFF;
	_ =	strace $0x90000046  }
0xb1: {  	s29 =	simm.s32 $0x9;
	_ =	strace $0x80000048  }
0xb2: {  	_ =	swait.ge [sflag:s29], $0x1  }
0xb3: {  	[sflag:s29] =	ssyncadd.s32 $0xFFFFFFFF  }
0xb4: {  	_ =	strace $0x90000048  }
0xb5: {  	_ =	sfence  }
0xb6: {  	s30 =	sld [smem:$0x0];
	_ =	sdelay $0x2  }
0xb7: {  	s31 =	sshll.u32 s1, $0xD;
	s1 =	sshrl.u32 s1, $0x2  }
0xb8: {  	s3 =	sand.u32 $0x4000, s31;
	s1 =	sadd.s32 s1, s30  }
0xb9: {  	s0 =	sor.u32 s3, s0;
	s1 =	sshll.u32 s1, $0x11  }
0xba: {  	s0 =	sor.u32 s1, s0  }
0xbb: {  	s0 =	sadd.s32 $0x8F2B, s0  }
0xbc: {  	[sflag:s0] =	ssyncadd.remote.s32 $0x1  }
0xbd: {  	_ =	sfence.sel $0xFFFF  }
0xbe: {  	[dreg:$0x0] =	wrdreg $0xFFFFFFFF;
	(pc) =	sbr.abs _section_cstart, $3  }
0xbf: {  	[dreg:$0x1] =	wrdreg $0xFFFFFFFF  }
0xc0: {  	_ =	task.clear_ibuf [dreg:s6], $0x2FFFF;
	_ =	strace $0x9FFFFFFF  }
0xc1: {  	(tm) =	ssettm $0x7FFFFFFF  }
tec
execute0_lowered:
.L_overlay_start_1:
0x0: {  	(tag) =	ssettag $0x1  }
0x1: {  	s0 =	srdreg.scid  }
0x2: {  	s2 =	stileid.u32;
	s1 =	rddreg [dreg:$0x0];
	s7 =	simm.s32 $0x2  }
0x3: {  	s8 =	simm.s32 $0x80;
	s17 =	simm.s32 $0x880;
	s18 =	simm.s32 $0x9500  }
0x4: {  	s19 =	simm.s32 $0x900;
	s20 =	simm.s32 $0x9D00;
	s21 =	simm.s32 $0x980  }
0x5: {  	s22 =	simm.s32 $0xA500;
	s23 =	simm.s32 $0xA00;
	s24 =	simm.s32 $0xAD00  }
0x6: {  	s25 =	simm.s32 $0xA80;
	s26 =	simm.s32 $0xB500;
	s28 =	simm.s32 $0xB00  }
0x7: {  	s29 =	simm.s32 $0xBD00;
	s30 =	simm.s32 $0xB80;
	s31 =	simm.s32 $0xC500  }
0x8: {  	s9 =	simm.s32 $0xC80;
	s10 =	simm.s32 $0xD500;
	s11 =	simm.s32 $0x1  }
0x9: {  	s12 =	simm.s32 $0xDD00;
	s0 =	sand.u32 $0x1, s0;
	s3 =	sshll.u32 s2, $0x1  }
0xa: {  	s13 =	simm.s32 $0x0;
	s2 =	simm.s32 $0x0;
	s3 =	sor.u32 s0, s3  }
0xb: {  	[smem:$0x7FF] =	sst s2;
	s0 =	ssub.s32 $0x2, s0;
	s4 =	smul.u32 $0x1A0, s3  }
0xc: {  	_ =	strace $0x80000047;
	s5 =	smul.u32 $0x1A00, s3;
	s6 =	sshrl.u32 s0, $0x1  }
0xd: {  	s3 =	sadd.s32 $0x27AD800, s1;
	s0 =	ssub.s32 s0, s6;
	s4 =	sadd.s32 s4, s1  }
0xe: {  	s1 =	sadd.s32 s5, s1;
	s6 =	smax.u32 s0, $0x1;
	s0 =	simm.s32 $0xCD00  }
0xf: {  	s4 =	sadd.s32 $0x1400, s4;
	s5 =	sadd.s32 $0x4800, s1;
	s1 =	simm.s32 $0xC00  }
.LBB2_1:
0x10: {  	[tilespmem:s2], [sflag:$0x2] =	stream.linear.gather [hbm4b:s4+s2], $0xD00, $0x38;
	[tilespmem:$0x1AD00] =	vst v63  }
0x11: {  	_ =	swait.ge [sflag:s7], $0xD00  }
0x12: {  	[sflag:s7] =	ssyncset.done $0x0  }
0x13: {  	s14 =	simm.s32 $0xD00;
	[sflag:s7] =	ssyncadd.s32 $0xFFFFF300  }
0x14: {  	[tilespmem:s14], [sflag:$0x1] =	stream.indirect.gather [hbm4b:s3+s8], $0x10, s2, s8, $0xb8;
	[tilespmem:$0x1AD00] =	vst v63  }
0x15: {  	s15 =	simm.s32 $0x1500  }
0x16: {  	[tilespmem:s15], [sflag:$0x1] =	stream.indirect.gather [hbm4b:s3+s8], $0x10, s8, s8, $0xb8;
	[tilespmem:$0x1AD00] =	vst v63  }
0x17: {  	s16 =	simm.s32 $0x100;
	s15 =	simm.s32 $0x1D00  }
0x18: {  	[tilespmem:s15], [sflag:$0x1] =	stream.indirect.gather [hbm4b:s3+s8], $0x10, s16, s8, $0xb8;
	[tilespmem:$0x1AD00] =	vst v63  }
0x19: {  	s15 =	simm.s32 $0x180;
	s16 =	simm.s32 $0x2500  }
0x1a: {  	[tilespmem:s16], [sflag:$0x1] =	stream.indirect.gather [hbm4b:s3+s8], $0x10, s15, s8, $0xb8;
	[tilespmem:$0x1AD00] =	vst v63  }
0x1b: {  	s15 =	simm.s32 $0x200;
	s16 =	simm.s32 $0x2D00  }
0x1c: {  	[tilespmem:s16], [sflag:$0x1] =	stream.indirect.gather [hbm4b:s3+s8], $0x10, s15, s8, $0xb8;
	[tilespmem:$0x1AD00] =	vst v63  }
0x1d: {  	s15 =	simm.s32 $0x280;
	s16 =	simm.s32 $0x3500  }
0x1e: {  	[tilespmem:s16], [sflag:$0x1] =	stream.indirect.gather [hbm4b:s3+s8], $0x10, s15, s8, $0xb8;
	[tilespmem:$0x1AD00] =	vst v63  }
0x1f: {  	s15 =	simm.s32 $0x300;
	s16 =	simm.s32 $0x3D00  }
0x20: {  	[tilespmem:s16], [sflag:$0x1] =	stream.indirect.gather [hbm4b:s3+s8], $0x10, s15, s8, $0xb8;
	[tilespmem:$0x1AD00] =	vst v63  }
0x21: {  	s15 =	simm.s32 $0x380;
	s16 =	simm.s32 $0x4500  }
0x22: {  	[tilespmem:s16], [sflag:$0x1] =	stream.indirect.gather [hbm4b:s3+s8], $0x10, s15, s8, $0xb8;
	[tilespmem:$0x1AD00] =	vst v63  }
0x23: {  	s15 =	simm.s32 $0x400;
	s16 =	simm.s32 $0x4D00  }
0x24: {  	[tilespmem:s16], [sflag:$0x1] =	stream.indirect.gather [hbm4b:s3+s8], $0x10, s15, s8, $0xb8;
	[tilespmem:$0x1AD00] =	vst v63  }
0x25: {  	s15 =	simm.s32 $0x480;
	s16 =	simm.s32 $0x5500  }
0x26: {  	[tilespmem:s16], [sflag:$0x1] =	stream.indirect.gather [hbm4b:s3+s8], $0x10, s15, s8, $0xb8;
	[tilespmem:$0x1AD00] =	vst v63  }
0x27: {  	s15 =	simm.s32 $0x500;
	s16 =	simm.s32 $0x5D00  }
0x28: {  	[tilespmem:s16], [sflag:$0x1] =	stream.indirect.gather [hbm4b:s3+s8], $0x10, s15, s8, $0xb8;
	[tilespmem:$0x1AD00] =	vst v63  }
0x29: {  	s15 =	simm.s32 $0x580;
	s16 =	simm.s32 $0x6500  }
0x2a: {  	[tilespmem:s16], [sflag:$0x1] =	stream.indirect.gather [hbm4b:s3+s8], $0x10, s15, s8, $0xb8;
	[tilespmem:$0x1AD00] =	vst v63  }
0x2b: {  	s15 =	simm.s32 $0x600;
	s16 =	simm.s32 $0x6D00  }
0x2c: {  	[tilespmem:s16], [sflag:$0x1] =	stream.indirect.gather [hbm4b:s3+s8], $0x10, s15, s8, $0xb8;
	[tilespmem:$0x1AD00] =	vst v63  }
0x2d: {  	s15 =	simm.s32 $0x680;
	s16 =	simm.s32 $0x7500  }
0x2e: {  	[tilespmem:s16], [sflag:$0x1] =	stream.indirect.gather [hbm4b:s3+s8], $0x10, s15, s8, $0xb8;
	[tilespmem:$0x1AD00] =	vst v63  }
0x2f: {  	s15 =	simm.s32 $0x700;
	s16 =	simm.s32 $0x7D00  }
0x30: {  	[tilespmem:s16], [sflag:$0x1] =	stream.indirect.gather [hbm4b:s3+s8], $0x10, s15, s8, $0xb8;
	[tilespmem:$0x1AD00] =	vst v63  }
0x31: {  	s15 =	simm.s32 $0x780;
	s16 =	simm.s32 $0x8500  }
0x32: {  	[tilespmem:s16], [sflag:$0x1] =	stream.indirect.gather [hbm4b:s3+s8], $0x10, s15, s8, $0xb8;
	[tilespmem:$0x1AD00] =	vst v63  }
0x33: {  	s15 =	simm.s32 $0x800;
	s16 =	simm.s32 $0x8D00  }
0x34: {  	[tilespmem:s16], [sflag:$0x1] =	stream.indirect.gather [hbm4b:s3+s8], $0x10, s15, s8, $0xb8;
	[tilespmem:$0x1AD00] =	vst v63  }
0x35: {  	_ = 	snop  }
0x36: {  	[tilespmem:s18], [sflag:$0x1] =	stream.indirect.gather [hbm4b:s3+s8], $0x10, s17, s8, $0xb8;
	[tilespmem:$0x1AD00] =	vst v63  }
0x37: {  	_ = 	snop  }
0x38: {  	[tilespmem:s20], [sflag:$0x1] =	stream.indirect.gather [hbm4b:s3+s8], $0x10, s19, s8, $0xb8;
	[tilespmem:$0x1AD00] =	vst v63  }
0x39: {  	_ = 	snop  }
0x3a: {  	[tilespmem:s22], [sflag:$0x1] =	stream.indirect.gather [hbm4b:s3+s8], $0x10, s21, s8, $0xb8;
	[tilespmem:$0x1AD00] =	vst v63  }
0x3b: {  	_ = 	snop  }
0x3c: {  	[tilespmem:s24], [sflag:$0x1] =	stream.indirect.gather [hbm4b:s3+s8], $0x10, s23, s8, $0xb8;
	[tilespmem:$0x1AD00] =	vst v63  }
0x3d: {  	_ = 	snop  }
0x3e: {  	[tilespmem:s26], [sflag:$0x1] =	stream.indirect.gather [hbm4b:s3+s8], $0x10, s25, s8, $0xb8;
	[tilespmem:$0x1AD00] =	vst v63  }
0x3f: {  	_ = 	snop  }
0x40: {  	[tilespmem:s29], [sflag:$0x1] =	stream.indirect.gather [hbm4b:s3+s8], $0x10, s28, s8, $0xb8;
	[tilespmem:$0x1AD00] =	vst v63  }
0x41: {  	_ = 	snop  }
0x42: {  	[tilespmem:s31], [sflag:$0x1] =	stream.indirect.gather [hbm4b:s3+s8], $0x10, s30, s8, $0xb8;
	[tilespmem:$0x1AD00] =	vst v63  }
0x43: {  	_ = 	snop  }
0x44: {  	[tilespmem:s0], [sflag:$0x1] =	stream.indirect.gather [hbm4b:s3+s8], $0x10, s1, s8, $0xb8;
	[tilespmem:$0x1AD00] =	vst v63  }
0x45: {  	_ = 	snop  }
0x46: {  	[tilespmem:s10], [sflag:$0x1] =	stream.indirect.gather [hbm4b:s3+s8], $0x10, s9, s8, $0xb8;
	[tilespmem:$0x1AD00] =	vst v63  }
0x47: {  	_ =	swait.ge [sflag:s11], $0x800  }
0x48: {  	[sflag:s11] =	ssyncset.done $0x0  }
0x49: {  	[sflag:s11] =	ssyncadd.s32 $0xFFFFF800  }
0x4a: {  	_ =	swait.ge [sflag:s11], $0x800  }
0x4b: {  	[sflag:s11] =	ssyncset.done $0x0  }
0x4c: {  	[sflag:s11] =	ssyncadd.s32 $0xFFFFF800  }
0x4d: {  	_ =	swait.ge [sflag:s11], $0x800  }
0x4e: {  	[sflag:s11] =	ssyncset.done $0x0  }
0x4f: {  	[sflag:s11] =	ssyncadd.s32 $0xFFFFF800  }
0x50: {  	_ =	swait.ge [sflag:s11], $0x800  }
0x51: {  	[sflag:s11] =	ssyncset.done $0x0  }
0x52: {  	[sflag:s11] =	ssyncadd.s32 $0xFFFFF800  }
0x53: {  	_ =	swait.ge [sflag:s11], $0x800  }
0x54: {  	[sflag:s11] =	ssyncset.done $0x0  }
0x55: {  	[sflag:s11] =	ssyncadd.s32 $0xFFFFF800  }
0x56: {  	_ =	swait.ge [sflag:s11], $0x800  }
0x57: {  	[sflag:s11] =	ssyncset.done $0x0  }
0x58: {  	[sflag:s11] =	ssyncadd.s32 $0xFFFFF800  }
0x59: {  	_ =	swait.ge [sflag:s11], $0x800  }
0x5a: {  	[sflag:s11] =	ssyncset.done $0x0  }
0x5b: {  	[sflag:s11] =	ssyncadd.s32 $0xFFFFF800  }
0x5c: {  	_ =	swait.ge [sflag:s11], $0x800  }
0x5d: {  	[sflag:s11] =	ssyncset.done $0x0  }
0x5e: {  	[sflag:s11] =	ssyncadd.s32 $0xFFFFF800  }
0x5f: {  	_ =	swait.ge [sflag:s11], $0x800  }
0x60: {  	[sflag:s11] =	ssyncset.done $0x0  }
0x61: {  	[sflag:s11] =	ssyncadd.s32 $0xFFFFF800  }
0x62: {  	_ =	swait.ge [sflag:s11], $0x800  }
0x63: {  	[sflag:s11] =	ssyncset.done $0x0  }
0x64: {  	[sflag:s11] =	ssyncadd.s32 $0xFFFFF800  }
0x65: {  	_ =	swait.ge [sflag:s11], $0x800  }
0x66: {  	[sflag:s11] =	ssyncset.done $0x0  }
0x67: {  	[sflag:s11] =	ssyncadd.s32 $0xFFFFF800  }
0x68: {  	_ =	swait.ge [sflag:s11], $0x800  }
0x69: {  	[sflag:s11] =	ssyncset.done $0x0  }
0x6a: {  	[sflag:s11] =	ssyncadd.s32 $0xFFFFF800  }
0x6b: {  	_ =	swait.ge [sflag:s11], $0x800  }
0x6c: {  	[sflag:s11] =	ssyncset.done $0x0  }
0x6d: {  	[sflag:s11] =	ssyncadd.s32 $0xFFFFF800  }
0x6e: {  	_ =	swait.ge [sflag:s11], $0x800  }
0x6f: {  	[sflag:s11] =	ssyncset.done $0x0  }
0x70: {  	[sflag:s11] =	ssyncadd.s32 $0xFFFFF800  }
0x71: {  	_ =	swait.ge [sflag:s11], $0x800  }
0x72: {  	[sflag:s11] =	ssyncset.done $0x0  }
0x73: {  	[sflag:s11] =	ssyncadd.s32 $0xFFFFF800  }
0x74: {  	_ =	swait.ge [sflag:s11], $0x800  }
0x75: {  	[sflag:s11] =	ssyncset.done $0x0  }
0x76: {  	[sflag:s11] =	ssyncadd.s32 $0xFFFFF800  }
0x77: {  	_ =	swait.ge [sflag:s11], $0x800  }
0x78: {  	[sflag:s11] =	ssyncset.done $0x0  }
0x79: {  	[sflag:s11] =	ssyncadd.s32 $0xFFFFF800  }
0x7a: {  	_ =	swait.ge [sflag:s11], $0x800  }
0x7b: {  	[sflag:s11] =	ssyncset.done $0x0  }
0x7c: {  	[sflag:s11] =	ssyncadd.s32 $0xFFFFF800  }
0x7d: {  	_ =	swait.ge [sflag:s11], $0x800  }
0x7e: {  	[sflag:s11] =	ssyncset.done $0x0  }
0x7f: {  	[sflag:s11] =	ssyncadd.s32 $0xFFFFF800  }
0x80: {  	_ =	swait.ge [sflag:s11], $0x800  }
0x81: {  	[sflag:s11] =	ssyncset.done $0x0  }
0x82: {  	[sflag:s11] =	ssyncadd.s32 $0xFFFFF800  }
0x83: {  	_ =	swait.ge [sflag:s11], $0x800  }
0x84: {  	[sflag:s11] =	ssyncset.done $0x0  }
0x85: {  	[sflag:s11] =	ssyncadd.s32 $0xFFFFF800  }
0x86: {  	_ =	swait.ge [sflag:s11], $0x800  }
0x87: {  	[sflag:s11] =	ssyncset.done $0x0  }
0x88: {  	[sflag:s11] =	ssyncadd.s32 $0xFFFFF800  }
0x89: {  	_ =	swait.ge [sflag:s11], $0x800  }
0x8a: {  	[sflag:s11] =	ssyncset.done $0x0  }
0x8b: {  	[sflag:s11] =	ssyncadd.s32 $0xFFFFF800  }
0x8c: {  	_ =	swait.ge [sflag:s11], $0x800  }
0x8d: {  	[sflag:s11] =	ssyncset.done $0x0  }
0x8e: {  	[sflag:s11] =	ssyncadd.s32 $0xFFFFF800  }
0x8f: {  	_ =	swait.ge [sflag:s11], $0x800  }
0x90: {  	[sflag:s11] =	ssyncset.done $0x0  }
0x91: {  	[sflag:s11] =	ssyncadd.s32 $0xFFFFF800  }
0x92: {  	_ =	swait.ge [sflag:s11], $0x800  }
0x93: {  	[sflag:s11] =	ssyncset.done $0x0  }
0x94: {  	s14 =	simm.s32 $0x0;
	[sflag:s11] =	ssyncadd.s32 $0xFFFFF800  }
0x95: {  	v3 =	vld [tilespmem:s14+$0xD70]  }
0x96: {  	v4 =	vld [tilespmem:s14+$0xD00]  }
0x97: {  	v5 =	vld [tilespmem:s14+$0xD10]  }
0x98: {  	v2 =	vld [tilespmem:s14+$0xD20]  }
0x99: {  	v0 =	vld [tilespmem:s14+$0xD30]  }
0x9a: {  	v1 =	vld [tilespmem:s14+$0xD40];
	[tilespmem:s14+$0xDD70] =	vst v3  }
0x9b: {  	[tilespmem:s14+$0xDD00] =	vst v4;
	v3 =	vld [tilespmem:s14+$0xD50]  }
0x9c: {  	s15 =	simm.s32 $0x80;
	s16 =	simm.s32 $0x400;
	[tilespmem:s14+$0xDD10] =	vst v5;
	v4 =	vld [tilespmem:s14+$0xD60]  }
.LBB2_2:
0x9d: {  	p0 =	sne.s32 s16, $0x33E00;
	v5 =	vld [tilespmem:s15+$0xD70];
	[tilespmem:s14+$0xDD20] =	vst v2  }
0x9e: {  	v6 =	vld [tilespmem:s15+$0xD00];
	[tilespmem:s14+$0xDD30] =	vst v0  }
0x9f: {  	v7 =	vld [tilespmem:s15+$0xD10];
	[tilespmem:s14+$0xDD40] =	vst v1  }
.Ltmp0:
0xa0: {  	v2 =	vld [tilespmem:s15+$0xD20];
	[tilespmem:s14+$0xDD50] =	vst v3;
	(pc) =	sbr.rel @p0 .LBB2_2-.Ltmp0, $4  }
0xa1: {  	v0 =	vld [tilespmem:s15+$0xD30];
	[tilespmem:s14+$0xDD60] =	vst v4;
	s14 =	smov.u32 s15  }
0xa2: {  	v1 =	vld [tilespmem:s14+$0xD40];
	[tilespmem:s14+$0xDD70] =	vst v5  }
0xa3: {  	[tilespmem:s14+$0xDD00] =	vst v6;
	v3 =	vld [tilespmem:s14+$0xD50]  }
0xa4: {  	s15 =	sshra.s32 s16, $0x2;
	s16 =	sadd.s32 $0x200, s16;
	[tilespmem:s14+$0xDD10] =	vst v7;
	v4 =	vld [tilespmem:s14+$0xD60]  }
0xa5: {  	v5 =	vld [tilespmem:s15+$0xD70];
	[tilespmem:s14+$0xDD20] =	vst v2  }
0xa6: {  	v2 =	vld [tilespmem:s15+$0xD00];
	[tilespmem:s14+$0xDD30] =	vst v0  }
0xa7: {  	v0 =	vld [tilespmem:s15+$0xD10];
	[tilespmem:s14+$0xDD40] =	vst v1  }
0xa8: {  	v1 =	vld [tilespmem:s15+$0xD20];
	[tilespmem:s14+$0xDD50] =	vst v3  }
0xa9: {  	v3 =	vld [tilespmem:s15+$0xD30];
	[tilespmem:s14+$0xDD60] =	vst v4  }
0xaa: {  	v4 =	vld [tilespmem:s15+$0xD40];
	[tilespmem:s15+$0xDD70] =	vst v5  }
0xab: {  	v62 =	vld [tilespmem:s15+$0xD50];
	[tilespmem:s15+$0xDD00] =	vst v2  }
0xac: {  	v63 =	vld [tilespmem:s15+$0xD60];
	[tilespmem:s15+$0xDD10] =	vst v0  }
0xad: {  	[tilespmem:s15+$0xDD20] =	vst v1  }
0xae: {  	[tilespmem:s15+$0xDD30] =	vst v3  }
0xaf: {  	s13 =	sadd.s32 $0x1, s13;
	[tilespmem:s15+$0xDD40] =	vst v4  }
0xb0: {  	p0 =	sne.s32 s13, s6;
	[tilespmem:s15+$0xDD50] =	vst v62  }
.Ltmp1:
0xb1: {  	[tilespmem:s15+$0xDD60] =	vst v63;
	(pc) =	sbr.rel @p0 .LBB2_1-.Ltmp1, $4  }
0xb2: {  	[hbm4b:s5+s2] =	stream.linear.scatter [tilespmem:s12], [sflag:$0x2], $0xD000, $0x38;
	[tilespmem:$0x1AD00] =	vst v63  }
0xb3: {  	_ =	swait.ge [sflag:s7], $0xD000  }
0xb4: {  	[sflag:s7] =	ssyncset.done $0x0  }
0xb5: {  	[sflag:s7] =	ssyncadd.s32 $0xFFFF3000  }
0xb6: {  	_ =	sfence.sel $0x180000  }
0xb7: {  	[bflag:$0x0] =	sbarrier.arrive $0xFFFF  }
0xb8: {  	_ =	strace $0x90000047  }
0xb9: {  	s0 =	stileid.u32;
	[bflag:$0x2] =	sbarrier.arrive $0xFFFF  }
0xba: {  	p0 =	sne.s32 s0, $0x0;
	s0 =	rddreg [dreg:$0x1]  }
0xbb: {  	s0 =	sadd.s32 @!p0 $0x100000, s0  }
0xbc: {  	[sflag:s0] =	ssyncadd.tile.s32 @!p0 $0x1;
	_ =	shalt  }
.Lfunc_end2:
_tile_overlayer_lowered:
.L_overlay_start_2:
0xbd: {  	(tag) =	ssettag $0x2  }
0xbe: {  	s0 =	rddreg [dreg:$0x0];
	s2 =	stileid.u32  }
0xbf: {  	s1 =	rddreg [dreg:$0x1];
	p0 =	sne.s32 s2, $0x0  }
0xc0: {  	s3 =	rddreg [dreg:$0x2];
	[bflag:$0x3] =	sbarrier.arrive $0xFFFF;
	s2 =	simm.s32 @!p0 $0x1C02  }
0xc1: {  	[timem:s3], [sflag:s2] =	dma.local @!p0 [hbm:s0], s1  }
0xc2: {  	s0 =	simm.s32 @!p0 $0x2  }
0xc3: {  	_ =	swait.ge @!p0 [sflag:s0], s1  }
0xc4: {  	s1 =	ssub.s32 @!p0 $0x0, s1;
	[sflag:s0] =	ssyncset.done @!p0 $0x0  }
0xc5: {  	[sflag:s0] =	ssyncadd.s32 @!p0 s1  }
0xc6: {  	[bflag:$0x3] =	sbarrier.arrive $0xFFFF  }
0xc7: {  	_ =	shalt  }

</sc_bundles>
